<compile_context>
chip_gen: v7x
topology: tpu7x:2x2x1
jax: 0.10.2.dev20260603
libtpu: 0.0.44.dev20260713+nightly
codegen_flags: <defaults>
</compile_context>

<pallas_src>
import functools

import jax
import jax.numpy as jnp
from jax import lax
from jax.experimental import pallas as pl
from jax.experimental.pallas import tpu as pltpu
from jax.experimental.pallas import tpu_sc as plsc

N = 10000
E = 320000
DIN = 128
DH = 64
DOUT = 2

RN = N
RND = 10240
NSC = 2
NTILE = 16
NW = NSC * NTILE
CHUNK = 80
CPT = 125
EPT = CPT * CHUNK
EPT2 = E // NTILE
SCR = RND // NSC
TPR = SCR // NTILE

BR = 2000
GRID = RN // BR



def _tc1_body(x_ref, wl_ref, wr_ref, br_ref, xl_ref, xr_ref):
    xv = x_ref[...]
    xl_ref[...] = jnp.dot(xv, wl_ref[...], preferred_element_type=jnp.float32)
    xr_ref[...] = jnp.dot(xv, wr_ref[...],
                          preferred_element_type=jnp.float32) + br_ref[...]


def _tc1(xp, w1l, w1r, brow):
    return pl.pallas_call(
        _tc1_body,
        grid=(GRID,),
        in_specs=[
            pl.BlockSpec((BR, DIN), lambda i: (i, 0)),
            pl.BlockSpec((DIN, DH), lambda i: (0, 0)),
            pl.BlockSpec((DIN, DH), lambda i: (0, 0)),
            pl.BlockSpec((1, DH), lambda i: (0, 0)),
        ],
        out_specs=[
            pl.BlockSpec((BR, DH), lambda i: (i, 0)),
            pl.BlockSpec((BR, DH), lambda i: (i, 0)),
        ],
        out_shape=[
            jax.ShapeDtypeStruct((RN, DH), jnp.float32),
            jax.ShapeDtypeStruct((RN, DH), jnp.float32),
        ],
    )(xp, w1l, w1r, brow)


def _tcx_body(ei_ref, src_ref, dst_ref):
    ei = ei_ref[...]
    src_ref[...] = ei[0]
    dst_ref[...] = ei[1]


def _tcx(ei):
    return pl.pallas_call(
        _tcx_body,
        out_shape=[
            jax.ShapeDtypeStruct((E,), jnp.int32),
            jax.ShapeDtypeStruct((E,), jnp.int32),
        ],
    )(ei)


def _tc2_body(p_ref, deg_ref, xr_ref, wl_ref, wr_ref, b2_ref,
              hl_ref, hr_ref):
    pv = p_ref[...]
    ssum = pv[0] + pv[1]
    deg = jnp.maximum(deg_ref[...], 1.0)
    h = jnp.maximum(ssum / deg + xr_ref[...], 0.0)
    hl_ref[...] = jnp.dot(h, wl_ref[...], preferred_element_type=jnp.float32)
    hr_ref[...] = jnp.dot(h, wr_ref[...],
                          preferred_element_type=jnp.float32) + b2_ref[...]


def _tc2(p1, degsum, xr, w2l, w2r, b2p):
    return pl.pallas_call(
        _tc2_body,
        grid=(GRID,),
        in_specs=[
            pl.BlockSpec((2, BR, DH), lambda i: (0, i, 0)),
            pl.BlockSpec((BR, 1), lambda i: (i, 0)),
            pl.BlockSpec((BR, DH), lambda i: (i, 0)),
            pl.BlockSpec((DH, DOUT), lambda i: (0, 0)),
            pl.BlockSpec((DH, DOUT), lambda i: (0, 0)),
            pl.BlockSpec((1, DOUT), lambda i: (0, 0)),
        ],
        out_specs=[
            pl.BlockSpec((BR, DOUT), lambda i: (i, 0)),
            pl.BlockSpec((BR, DOUT), lambda i: (i, 0)),
        ],
        out_shape=[
            jax.ShapeDtypeStruct((RN, DOUT), jnp.float32),
            jax.ShapeDtypeStruct((RN, DOUT), jnp.float32),
        ],
    )(p1, degsum, xr, w2l, w2r, b2p)



_MESH = plsc.VectorSubcoreMesh(core_axis_name="c", subcore_axis_name="s")
_RPT = RN // NTILE
DRPT = RND // NTILE
NBUF = 5
GROUPS = CPT // NBUF


def _idx(buf, i):
    return buf.at[pl.ds(pl.multiple_of(i * CHUNK, 8), CHUNK)]


@functools.partial(
    pl.kernel,
    mesh=_MESH,
    compiler_params=pltpu.CompilerParams(use_tc_tiling_on_sc=False,
                                        needs_layout_passes=False),
    out_type=[
        jax.ShapeDtypeStruct((NSC, RN, DH), jnp.float32),
        jax.ShapeDtypeStruct((NSC, RND), jnp.float32),
    ],
    scratch_types=[
        pltpu.VMEM((EPT,), jnp.int32),
        pltpu.VMEM((EPT,), jnp.int32),
        pltpu.VMEM((NBUF, CHUNK, DH), jnp.float32),
        pltpu.VMEM((RND,), jnp.float32),
        pltpu.VMEM((NTILE, DRPT), jnp.float32),
        pltpu.VMEM((DRPT,), jnp.float32),
        pltpu.VMEM_SHARED((RN, DH), jnp.float32),
        pltpu.VMEM_SHARED((NTILE, RND), jnp.float32),
        pltpu.SemaphoreType.DMA,
        pltpu.SemaphoreType.DMA,
    ],
)
def _sc_agg1(feat, srcs, dsts, zeros64, out, outdeg,
             srcb, dstb, rows, degv, rbuf, dout, acc, dstage, gsem, ssem):
    c = lax.axis_index("c")
    s = lax.axis_index("s")
    wid = s * NSC + c
    pltpu.sync_copy(zeros64.at[pl.ds(s * _RPT, _RPT)],
                    acc.at[pl.ds(s * _RPT, _RPT)])
    pltpu.sync_copy(srcs.at[pl.ds(wid * EPT, EPT)], srcb)
    pltpu.sync_copy(dsts.at[pl.ds(wid * EPT, EPT)], dstb)
    z16 = jnp.zeros((16,), jnp.float32)

    def zbody(k, carry):
        degv[pl.ds(pl.multiple_of(k * 16, 16), 16)] = z16
        return carry

    lax.fori_loop(0, RND // 16, zbody, 0)
    ones_v = jnp.ones((16,), jnp.float32)

    for b in range(NBUF):
        pltpu.async_copy(feat.at[_idx(srcb, b)], rows.at[b], gsem)
    plsc.subcore_barrier()

    def outer(gi, carry):
        for b in range(NBUF):
            i = gi * NBUF + b
            pltpu.make_async_copy(feat.at[_idx(srcb, i)], rows.at[b],
                                  gsem).wait()
            d = pltpu.async_copy(rows.at[b], acc.at[_idx(dstb, i)], ssem,
                                 add=True)
            for k in range(CHUNK // 16):
                off = pl.multiple_of(i * CHUNK + k * 16, 16)
                dv = dstb[pl.ds(off, 16)]
                plsc.addupdate_scatter(degv, [dv], ones_v)
            d.wait()

            @pl.when(i + NBUF < CPT)
            def _():
                pltpu.async_copy(feat.at[_idx(srcb, i + NBUF)], rows.at[b],
                                 gsem)
        return carry

    lax.fori_loop(0, GROUPS, outer, 0)
    pltpu.sync_copy(degv, dstage.at[s])
    plsc.subcore_barrier()
    pltpu.sync_copy(acc.at[pl.ds(s * _RPT, _RPT)],
                    out.at[c, pl.ds(s * _RPT, _RPT)])
    pltpu.sync_copy(dstage.at[:, pl.ds(s * DRPT, DRPT)], rbuf)

    def rbody(k, carry):
        o = pl.multiple_of(k * 16, 16)
        v = rbuf[0, pl.ds(o, 16)]
        for j in range(1, NTILE):
            v = v + rbuf[j, pl.ds(o, 16)]
        dout[pl.ds(o, 16)] = v
        return carry

    lax.fori_loop(0, DRPT // 16, rbody, 0)
    pltpu.sync_copy(dout, outdeg.at[c, pl.ds(s * DRPT, DRPT)])


@functools.partial(
    pl.kernel,
    mesh=_MESH,
    compiler_params=pltpu.CompilerParams(use_tc_tiling_on_sc=False,
                                        needs_layout_passes=False),
    out_type=[
        jax.ShapeDtypeStruct((RND,), jnp.float32),
        jax.ShapeDtypeStruct((RND,), jnp.float32),
    ],
    scratch_types=[
        pltpu.VMEM((EPT2,), jnp.int32),
        pltpu.VMEM((EPT2,), jnp.int32),
        pltpu.VMEM((RND,), jnp.float32),
        pltpu.VMEM((RND,), jnp.float32),
        pltpu.VMEM((SCR,), jnp.float32),
        pltpu.VMEM((SCR,), jnp.float32),
        pltpu.VMEM((NTILE, TPR), jnp.float32),
        pltpu.VMEM((NTILE, TPR), jnp.float32),
        pltpu.VMEM((TPR,), jnp.float32),
        pltpu.VMEM((TPR,), jnp.float32),
        pltpu.VMEM((TPR,), jnp.float32),
        pltpu.VMEM((TPR,), jnp.float32),
        pltpu.VMEM((TPR,), jnp.float32),
        pltpu.VMEM_SHARED((NTILE, 2, SCR), jnp.float32),
    ],
)
def _sc_l2(hl0, hl1, srcs, dsts, deg, hr0, hr1, out0, out1,
           srcb, dstb, hl0b, hl1b, acc0, acc1, rbuf0, rbuf1,
           hr0b, hr1b, degb, dout0, dout1, sstage):
    c = lax.axis_index("c")
    s = lax.axis_index("s")
    lo = c * SCR
    base = c * SCR + s * TPR
    pltpu.sync_copy(srcs.at[pl.ds(s * EPT2, EPT2)], srcb)
    pltpu.sync_copy(dsts.at[pl.ds(s * EPT2, EPT2)], dstb)
    pltpu.sync_copy(hl0, hl0b)
    pltpu.sync_copy(hl1, hl1b)
    pltpu.sync_copy(deg.at[pl.ds(base, TPR)], degb)
    pltpu.sync_copy(hr0.at[pl.ds(base, TPR)], hr0b)
    pltpu.sync_copy(hr1.at[pl.ds(base, TPR)], hr1b)
    z16 = jnp.zeros((16,), jnp.float32)

    def zbody(k, carry):
        o = pl.multiple_of(k * 16, 16)
        acc0[pl.ds(o, 16)] = z16
        acc1[pl.ds(o, 16)] = z16
        return carry

    lax.fori_loop(0, SCR // 16, zbody, 0)

    def body(k, carry):
        off = pl.multiple_of(k * 16, 16)
        sv = srcb[pl.ds(off, 16)]
        dv = dstb[pl.ds(off, 16)]
        m = jnp.logical_and(dv >= lo, dv < lo + SCR)
        dl = jnp.where(m, dv - lo, 0)
        g0 = plsc.load_gather(hl0b, [sv])
        g1 = plsc.load_gather(hl1b, [sv])
        plsc.addupdate_scatter(acc0, [dl], g0, mask=m)
        plsc.addupdate_scatter(acc1, [dl], g1, mask=m)
        return carry

    lax.fori_loop(0, EPT2 // 16, body, 0)
    pltpu.sync_copy(acc0, sstage.at[s, 0])
    pltpu.sync_copy(acc1, sstage.at[s, 1])
    plsc.subcore_barrier()
    pltpu.sync_copy(sstage.at[:, 0, pl.ds(s * TPR, TPR)], rbuf0)
    pltpu.sync_copy(sstage.at[:, 1, pl.ds(s * TPR, TPR)], rbuf1)

    def rbody(k, carry):
        o = pl.multiple_of(k * 16, 16)
        v0 = rbuf0[0, pl.ds(o, 16)]
        v1 = rbuf1[0, pl.ds(o, 16)]
        for j in range(1, NTILE):
            v0 = v0 + rbuf0[j, pl.ds(o, 16)]
            v1 = v1 + rbuf1[j, pl.ds(o, 16)]
        d = degb[pl.ds(o, 16)]
        dout0[pl.ds(o, 16)] = v0 / d + hr0b[pl.ds(o, 16)]
        dout1[pl.ds(o, 16)] = v1 / d + hr1b[pl.ds(o, 16)]
        return carry

    lax.fori_loop(0, TPR // 16, rbody, 0)
    pltpu.sync_copy(dout0, out0.at[pl.ds(base, TPR)])
    pltpu.sync_copy(dout1, out1.at[pl.ds(base, TPR)])



def kernel(x, edge_index, W1_l, W1_r, b1, W2_l, W2_r, b2):
    srcp, dstp = _tcx(edge_index.astype(jnp.int32))
    xl, xr = _tc1(x, W1_l, W1_r, b1[None, :])

    zeros64 = jnp.zeros((RN, DH), jnp.float32)
    p1, pdeg = _sc_agg1(xl, srcp, dstp, zeros64)

    degfull = pdeg[0] + pdeg[1]
    hl, hr = _tc2(p1, degfull[:RN, None], xr, W2_l, W2_r, b2[None, :])

    pad = (0, RND - N)
    hl0 = jnp.pad(hl[:, 0], pad)
    hl1 = jnp.pad(hl[:, 1], pad)
    hr0 = jnp.pad(hr[:, 0], pad)
    hr1 = jnp.pad(hr[:, 1], pad)
    degc = jnp.maximum(degfull, 1.0)
    o0, o1 = _sc_l2(hl0, hl1, srcp, dstp, degc, hr0, hr1)
    return jnp.stack([o0[:N], o1[:N]], axis=1)

# --- scband reference (transcript-rebuilt; emitter-appended) ---
"""Pipeline reference for scband-graph-sage-16965120819650 (READ-ONLY COPY).

The authoritative reference and input builder live on the scoring server;
editing this copy changes nothing except your own understanding.
"""

import jax, jax.numpy as jnp
import numpy as np

N_NODES = 10000
N_EDGES = 320000
D_IN = 128
D_HID = 64
D_OUT = 2


def setup_inputs(seed: int = 0) -> dict:
    key = jax.random.key(seed)
    ks = jax.random.split(key, 8)
    x = jax.random.normal(ks[0], (N_NODES, D_IN), dtype=jnp.float32)
    edge_index = jax.random.randint(ks[1], (2, N_EDGES), 0, N_NODES, dtype=jnp.int64 if jax.config.jax_enable_x64 else jnp.int32)
    # SAGEConv params: lin_l (applied to aggregated neighbors, with bias), lin_r (root, no bias)
    def glorot(k, fan_in, fan_out):
        lim = np.sqrt(6.0 / (fan_in + fan_out))
        return jax.random.uniform(k, (fan_in, fan_out), dtype=jnp.float32, minval=-lim, maxval=lim)
    W1_l = glorot(ks[2], D_IN, D_HID)
    W1_r = glorot(ks[3], D_IN, D_HID)
    b1 = jnp.zeros((D_HID,), dtype=jnp.float32)
    W2_l = glorot(ks[4], D_HID, D_OUT)
    W2_r = glorot(ks[5], D_HID, D_OUT)
    b2 = jnp.zeros((D_OUT,), dtype=jnp.float32)
    return {"x": x, "edge_index": edge_index, "W1_l": W1_l, "W1_r": W1_r, "b1": b1, "W2_l": W2_l, "W2_r": W2_r, "b2": b2}


def _sage_conv(h, src, dst, n_nodes, W_l, W_r, b):
    # PyG SAGEConv (aggr='mean'): out = lin_l(mean_{j in N(i)} x_j) + lin_r(x_i)
    msgs = h[src]  # gather from source nodes
    agg = jax.ops.segment_sum(msgs, dst, num_segments=n_nodes)
    deg = jax.ops.segment_sum(jnp.ones((src.shape[0],), h.dtype), dst, num_segments=n_nodes)
    agg = agg / jnp.clip(deg, 1.0, None)[:, None]
    return agg @ W_l + b + h @ W_r


def reference(x, edge_index, W1_l, W1_r, b1, W2_l, W2_r, b2):
    src = edge_index[0]
    dst = edge_index[1]
    n = x.shape[0]
    h = _sage_conv(x, src, dst, n, W1_l, W1_r, b1)
    h = jax.nn.relu(h)
    # dropout p=0.5 is identity in eval mode (training=False)
    out = _sage_conv(h, src, dst, n, W2_l, W2_r, b2)
    return out

if __name__ == "__main__":
    import jax
    _d = setup_inputs()
    print(jax.jit(kernel)(*tuple(_d.values())))

</pallas_src>

<mosaic_0001>
#map = affine_map<(d0, d1) -> (0, 0)>
#map1 = affine_map<(d0, d1) -> (0)>
#map2 = affine_map<(d0, d1) -> (0, 0, 0)>
module attributes {stable_mosaic.version = 14 : i64} {
  func.func @_sc_agg1(%arg0: i32, %arg1: i32, %arg2: memref<10000x64xf32, #tpu.memory_space<hbm>>, %arg3: memref<320000xi32, #tpu.memory_space<hbm>>, %arg4: memref<320000xi32, #tpu.memory_space<hbm>>, %arg5: memref<10000x64xf32, #tpu.memory_space<hbm>>, %arg6: memref<2x10000x64xf32, #tpu.memory_space<hbm>>, %arg7: memref<2x10240xf32, #tpu.memory_space<hbm>>, %arg8: memref<10000xi32, #tpu.memory_space<vmem>>, %arg9: memref<10000xi32, #tpu.memory_space<vmem>>, %arg10: memref<5x80x64xf32, #tpu.memory_space<vmem>>, %arg11: memref<10240xf32, #tpu.memory_space<vmem>>, %arg12: memref<16x640xf32, #tpu.memory_space<vmem>>, %arg13: memref<640xf32, #tpu.memory_space<vmem>>, %arg14: memref<10000x64xf32, #tpu.memory_space<vmem_shared>>, %arg15: memref<16x10240xf32, #tpu.memory_space<vmem_shared>>, %arg16: memref<!tpu.dma_semaphore, #tpu.memory_space<semaphore_mem>>, %arg17: memref<!tpu.dma_semaphore, #tpu.memory_space<semaphore_mem>>) attributes {dimension_semantics = [#tpu.dimension_semantics<core_parallel>, #tpu.dimension_semantics<subcore_parallel>], iteration_bounds = array<i64: 2, 16>, scalar_prefetch = 0 : i64, scratch_operands = 10 : i64, tpu.core_type = #tpu.core_type<sc_vector_subcore>, window_params = [{transform_indices = #map}, {transform_indices = #map1}, {transform_indices = #map1}, {transform_indices = #map}, {transform_indices = #map2}, {transform_indices = #map}]} {
    %mul3A = arith.constant 2 : i32
    %mul3A_0 = arith.muli %arg1, %mul3A : i32
    %add3A = arith.addi %mul3A_0, %arg0 : i32
    %mul3A_1 = arith.constant 625 : i32
    %mul3A_2 = arith.muli %arg1, %mul3A_1 : i32
    %mul3A_3 = arith.constant 625 : i32
    %mul3A_4 = arith.muli %arg1, %mul3A_3 : i32
    "tpu.region"() ({
      %run_scoped3A = tpu.sem_alloc : memref<!tpu.dma_semaphore, #tpu.memory_space<semaphore_mem>>
      %dma_start3A_91 = arith.constant 0 : i32
      %dma_start3A_92 = tpu.memref_slice %arg14[%mul3A_4, %dma_start3A_91] : memref<10000x64xf32, #tpu.memory_space<vmem_shared>> -> memref<625x64xf32, #tpu.memory_space<vmem_shared>>
      %dma_start3A_93 = arith.constant 0 : i32
      %dma_start3A_94 = tpu.memref_slice %arg5[%mul3A_2, %dma_start3A_93] : memref<10000x64xf32, #tpu.memory_space<hbm>> -> memref<625x64xf32, #tpu.memory_space<hbm>>
      tpu.enqueue_dma source(%dma_start3A_94 : memref<625x64xf32, #tpu.memory_space<hbm>>) target(%dma_start3A_92 : memref<625x64xf32, #tpu.memory_space<vmem_shared>>) target_semaphore(%run_scoped3A : memref<!tpu.dma_semaphore, #tpu.memory_space<semaphore_mem>>)
      %dma_wait3A = arith.constant 0 : i32
      %dma_wait3A_95 = tpu.memref_slice %arg14[%mul3A_4, %dma_wait3A] : memref<10000x64xf32, #tpu.memory_space<vmem_shared>> -> memref<625x64xf32, #tpu.memory_space<vmem_shared>>
      %dma_wait3A_96 = arith.constant 0 : i32
      %dma_wait3A_97 = tpu.memref_slice %arg5[%mul3A_2, %dma_wait3A_96] : memref<10000x64xf32, #tpu.memory_space<hbm>> -> memref<625x64xf32, #tpu.memory_space<hbm>>
      tpu.wait_dma2 semaphore(%run_scoped3A : memref<!tpu.dma_semaphore, #tpu.memory_space<semaphore_mem>>) src(%dma_wait3A_97 : memref<625x64xf32, #tpu.memory_space<hbm>>) dst(%dma_wait3A_95 : memref<625x64xf32, #tpu.memory_space<vmem_shared>>)
      tpu.yield
    }) : () -> ()
    %mul3A_5 = arith.constant 10000 : i32
    %mul3A_6 = arith.muli %add3A, %mul3A_5 : i32
    "tpu.region"() ({
      %run_scoped3A = tpu.sem_alloc : memref<!tpu.dma_semaphore, #tpu.memory_space<semaphore_mem>>
      %dma_start3A_91 = tpu.memref_slice %arg3[%mul3A_6] : memref<320000xi32, #tpu.memory_space<hbm>> -> memref<10000xi32, #tpu.memory_space<hbm>>
      %dma_start3A_92 = tpu.memref_slice %arg3[%mul3A_6] : memref<320000xi32, #tpu.memory_space<hbm>> -> memref<10000xi32, #tpu.memory_space<hbm>>
      tpu.enqueue_dma source(%dma_start3A_92 : memref<10000xi32, #tpu.memory_space<hbm>>) target(%arg8 : memref<10000xi32, #tpu.memory_space<vmem>>) target_semaphore(%run_scoped3A : memref<!tpu.dma_semaphore, #tpu.memory_space<semaphore_mem>>)
      %dma_wait3A = tpu.memref_slice %arg3[%mul3A_6] : memref<320000xi32, #tpu.memory_space<hbm>> -> memref<10000xi32, #tpu.memory_space<hbm>>
      %dma_wait3A_93 = tpu.memref_slice %arg3[%mul3A_6] : memref<320000xi32, #tpu.memory_space<hbm>> -> memref<10000xi32, #tpu.memory_space<hbm>>
      tpu.wait_dma2 semaphore(%run_scoped3A : memref<!tpu.dma_semaphore, #tpu.memory_space<semaphore_mem>>) src(%dma_wait3A_93 : memref<10000xi32, #tpu.memory_space<hbm>>) dst(%arg8 : memref<10000xi32, #tpu.memory_space<vmem>>)
      tpu.yield
    }) : () -> ()
    %mul3A_7 = arith.constant 10000 : i32
    %mul3A_8 = arith.muli %add3A, %mul3A_7 : i32
    "tpu.region"() ({
      %run_scoped3A = tpu.sem_alloc : memref<!tpu.dma_semaphore, #tpu.memory_space<semaphore_mem>>
      %dma_start3A_91 = tpu.memref_slice %arg4[%mul3A_8] : memref<320000xi32, #tpu.memory_space<hbm>> -> memref<10000xi32, #tpu.memory_space<hbm>>
      %dma_start3A_92 = tpu.memref_slice %arg4[%mul3A_8] : memref<320000xi32, #tpu.memory_space<hbm>> -> memref<10000xi32, #tpu.memory_space<hbm>>
      tpu.enqueue_dma source(%dma_start3A_92 : memref<10000xi32, #tpu.memory_space<hbm>>) target(%arg9 : memref<10000xi32, #tpu.memory_space<vmem>>) target_semaphore(%run_scoped3A : memref<!tpu.dma_semaphore, #tpu.memory_space<semaphore_mem>>)
      %dma_wait3A = tpu.memref_slice %arg4[%mul3A_8] : memref<320000xi32, #tpu.memory_space<hbm>> -> memref<10000xi32, #tpu.memory_space<hbm>>
      %dma_wait3A_93 = tpu.memref_slice %arg4[%mul3A_8] : memref<320000xi32, #tpu.memory_space<hbm>> -> memref<10000xi32, #tpu.memory_space<hbm>>
      tpu.wait_dma2 semaphore(%run_scoped3A : memref<!tpu.dma_semaphore, #tpu.memory_space<semaphore_mem>>) src(%dma_wait3A_93 : memref<10000xi32, #tpu.memory_space<hbm>>) dst(%arg9 : memref<10000xi32, #tpu.memory_space<vmem>>)
      tpu.yield
    }) : () -> ()
    %broadcast_in_dim3A = arith.constant 0.000000e+00 : f32
    %broadcast_in_dim3A_9 = vector.broadcast %broadcast_in_dim3A : f32 to vector<16xf32>
    %scan3A = arith.constant 0 : i32
    %scan3A_10 = arith.constant 0 : i32
    %scan3A_11 = arith.constant 640 : i32
    %scan3A_12 = arith.addi %scan3A_10, %scan3A_11 : i32
    %scan3A_13 = arith.constant 1 : i32
    scf.for %scan3A_91 = %scan3A_10 to %scan3A_12 step %scan3A_13  : i32 {
      %mul3A_92 = arith.constant 16 : i32
      %mul3A_93 = arith.muli %scan3A_91, %mul3A_92 : i32
      %multiple_of3A_94 = tpu.assume_multiple %mul3A_93, 16 : i32
      %swap3A = arith.index_cast %multiple_of3A_94 : i32 to index
      %swap3A_95 = tpu.vector_load %arg11[%swap3A] {strides = array<i32>} : memref<10240xf32, #tpu.memory_space<vmem>>, vector<16xf32>,
      tpu.vector_store %arg11[%swap3A], %broadcast_in_dim3A_9 {strides = array<i32>} : memref<10240xf32, #tpu.memory_space<vmem>>, vector<16xf32>,
    }
    %scan3A_14 = arith.constant 640 : i32
    %broadcast_in_dim3A_15 = arith.constant 1.000000e+00 : f32
    %broadcast_in_dim3A_16 = vector.broadcast %broadcast_in_dim3A_15 : f32 to vector<16xf32>
    %multiple_of3A = arith.constant 0 : i32
    %multiple_of3A_17 = tpu.assume_multiple %multiple_of3A, 8 : i32
    %dma_start3A = arith.constant 0 : i32
    %dma_start3A_18 = arith.constant 0 : i32
    %dma_start3A_19 = arith.constant 0 : i32
    %dma_start3A_20 = tpu.memref_slice %arg10[%dma_start3A, %dma_start3A_18, %dma_start3A_19] : memref<5x80x64xf32, #tpu.memory_space<vmem>> -> memref<1x80x64xf32, #tpu.memory_space<vmem>>
    %dma_start3A_21 = tpu.memref_squeeze %dma_start3A_20 : memref<1x80x64xf32, #tpu.memory_space<vmem>> -> memref<80x64xf32, #tpu.memory_space<vmem>>
    %dma_start3A_22 = tpu.memref_slice %arg8[%multiple_of3A_17] : memref<10000xi32, #tpu.memory_space<vmem>> -> memref<80xi32, #tpu.memory_space<vmem>>
    %dma_start3A_23 = arith.constant 0 : i32
    %dma_start3A_24 = arith.constant 0 : i32
    %dma_start3A_25 = tpu.memref_slice %arg2[%dma_start3A_23, %dma_start3A_24] : memref<10000x64xf32, #tpu.memory_space<hbm>> -> memref<10000x64xf32, #tpu.memory_space<hbm>>
    tpu.enqueue_indirect_dma source(%dma_start3A_25 : memref<10000x64xf32, #tpu.memory_space<hbm>>) target(%dma_start3A_21 : memref<80x64xf32, #tpu.memory_space<vmem>>) offsets(%dma_start3A_22 : memref<80xi32, #tpu.memory_space<vmem>>) semaphore(%arg16 : memref<!tpu.dma_semaphore, #tpu.memory_space<semaphore_mem>>)
    %multiple_of3A_26 = arith.constant 80 : i32
    %multiple_of3A_27 = tpu.assume_multiple %multiple_of3A_26, 8 : i32
    %dma_start3A_28 = arith.constant 1 : i32
    %dma_start3A_29 = arith.constant 0 : i32
    %dma_start3A_30 = arith.constant 0 : i32
    %dma_start3A_31 = tpu.memref_slice %arg10[%dma_start3A_28, %dma_start3A_29, %dma_start3A_30] : memref<5x80x64xf32, #tpu.memory_space<vmem>> -> memref<1x80x64xf32, #tpu.memory_space<vmem>>
    %dma_start3A_32 = tpu.memref_squeeze %dma_start3A_31 : memref<1x80x64xf32, #tpu.memory_space<vmem>> -> memref<80x64xf32, #tpu.memory_space<vmem>>
    %dma_start3A_33 = tpu.memref_slice %arg8[%multiple_of3A_27] : memref<10000xi32, #tpu.memory_space<vmem>> -> memref<80xi32, #tpu.memory_space<vmem>>
    %dma_start3A_34 = arith.constant 0 : i32
    %dma_start3A_35 = arith.constant 0 : i32
    %dma_start3A_36 = tpu.memref_slice %arg2[%dma_start3A_34, %dma_start3A_35] : memref<10000x64xf32, #tpu.memory_space<hbm>> -> memref<10000x64xf32, #tpu.memory_space<hbm>>
    tpu.enqueue_indirect_dma source(%dma_start3A_36 : memref<10000x64xf32, #tpu.memory_space<hbm>>) target(%dma_start3A_32 : memref<80x64xf32, #tpu.memory_space<vmem>>) offsets(%dma_start3A_33 : memref<80xi32, #tpu.memory_space<vmem>>) semaphore(%arg16 : memref<!tpu.dma_semaphore, #tpu.memory_space<semaphore_mem>>)
    %multiple_of3A_37 = arith.constant 160 : i32
    %multiple_of3A_38 = tpu.assume_multiple %multiple_of3A_37, 8 : i32
    %dma_start3A_39 = arith.constant 2 : i32
    %dma_start3A_40 = arith.constant 0 : i32
    %dma_start3A_41 = arith.constant 0 : i32
    %dma_start3A_42 = tpu.memref_slice %arg10[%dma_start3A_39, %dma_start3A_40, %dma_start3A_41] : memref<5x80x64xf32, #tpu.memory_space<vmem>> -> memref<1x80x64xf32, #tpu.memory_space<vmem>>
    %dma_start3A_43 = tpu.memref_squeeze %dma_start3A_42 : memref<1x80x64xf32, #tpu.memory_space<vmem>> -> memref<80x64xf32, #tpu.memory_space<vmem>>
    %dma_start3A_44 = tpu.memref_slice %arg8[%multiple_of3A_38] : memref<10000xi32, #tpu.memory_space<vmem>> -> memref<80xi32, #tpu.memory_space<vmem>>
    %dma_start3A_45 = arith.constant 0 : i32
    %dma_start3A_46 = arith.constant 0 : i32
    %dma_start3A_47 = tpu.memref_slice %arg2[%dma_start3A_45, %dma_start3A_46] : memref<10000x64xf32, #tpu.memory_space<hbm>> -> memref<10000x64xf32, #tpu.memory_space<hbm>>
    tpu.enqueue_indirect_dma source(%dma_start3A_47 : memref<10000x64xf32, #tpu.memory_space<hbm>>) target(%dma_start3A_43 : memref<80x64xf32, #tpu.memory_space<vmem>>) offsets(%dma_start3A_44 : memref<80xi32, #tpu.memory_space<vmem>>) semaphore(%arg16 : memref<!tpu.dma_semaphore, #tpu.memory_space<semaphore_mem>>)
    %multiple_of3A_48 = arith.constant 240 : i32
    %multiple_of3A_49 = tpu.assume_multiple %multiple_of3A_48, 8 : i32
    %dma_start3A_50 = arith.constant 3 : i32
    %dma_start3A_51 = arith.constant 0 : i32
    %dma_start3A_52 = arith.constant 0 : i32
    %dma_start3A_53 = tpu.memref_slice %arg10[%dma_start3A_50, %dma_start3A_51, %dma_start3A_52] : memref<5x80x64xf32, #tpu.memory_space<vmem>> -> memref<1x80x64xf32, #tpu.memory_space<vmem>>
    %dma_start3A_54 = tpu.memref_squeeze %dma_start3A_53 : memref<1x80x64xf32, #tpu.memory_space<vmem>> -> memref<80x64xf32, #tpu.memory_space<vmem>>
    %dma_start3A_55 = tpu.memref_slice %arg8[%multiple_of3A_49] : memref<10000xi32, #tpu.memory_space<vmem>> -> memref<80xi32, #tpu.memory_space<vmem>>
    %dma_start3A_56 = arith.constant 0 : i32
    %dma_start3A_57 = arith.constant 0 : i32
    %dma_start3A_58 = tpu.memref_slice %arg2[%dma_start3A_56, %dma_start3A_57] : memref<10000x64xf32, #tpu.memory_space<hbm>> -> memref<10000x64xf32, #tpu.memory_space<hbm>>
    tpu.enqueue_indirect_dma source(%dma_start3A_58 : memref<10000x64xf32, #tpu.memory_space<hbm>>) target(%dma_start3A_54 : memref<80x64xf32, #tpu.memory_space<vmem>>) offsets(%dma_start3A_55 : memref<80xi32, #tpu.memory_space<vmem>>) semaphore(%arg16 : memref<!tpu.dma_semaphore, #tpu.memory_space<semaphore_mem>>)
    %multiple_of3A_59 = arith.constant 320 : i32
    %multiple_of3A_60 = tpu.assume_multiple %multiple_of3A_59, 8 : i32
    %dma_start3A_61 = arith.constant 4 : i32
    %dma_start3A_62 = arith.constant 0 : i32
    %dma_start3A_63 = arith.constant 0 : i32
    %dma_start3A_64 = tpu.memref_slice %arg10[%dma_start3A_61, %dma_start3A_62, %dma_start3A_63] : memref<5x80x64xf32, #tpu.memory_space<vmem>> -> memref<1x80x64xf32, #tpu.memory_space<vmem>>
    %dma_start3A_65 = tpu.memref_squeeze %dma_start3A_64 : memref<1x80x64xf32, #tpu.memory_space<vmem>> -> memref<80x64xf32, #tpu.memory_space<vmem>>
    %dma_start3A_66 = tpu.memref_slice %arg8[%multiple_of3A_60] : memref<10000xi32, #tpu.memory_space<vmem>> -> memref<80xi32, #tpu.memory_space<vmem>>
    %dma_start3A_67 = arith.constant 0 : i32
    %dma_start3A_68 = arith.constant 0 : i32
    %dma_start3A_69 = tpu.memref_slice %arg2[%dma_start3A_67, %dma_start3A_68] : memref<10000x64xf32, #tpu.memory_space<hbm>> -> memref<10000x64xf32, #tpu.memory_space<hbm>>
    tpu.enqueue_indirect_dma source(%dma_start3A_69 : memref<10000x64xf32, #tpu.memory_space<hbm>>) target(%dma_start3A_65 : memref<80x64xf32, #tpu.memory_space<vmem>>) offsets(%dma_start3A_66 : memref<80xi32, #tpu.memory_space<vmem>>) semaphore(%arg16 : memref<!tpu.dma_semaphore, #tpu.memory_space<semaphore_mem>>)
    %barrier3A = arith.constant 0 : index
    tpu.barrier barrier_id(%barrier3A)
    %scan3A_70 = arith.constant 0 : i32
    %scan3A_71 = arith.constant 0 : i32
    %scan3A_72 = arith.constant 25 : i32
    %scan3A_73 = arith.addi %scan3A_71, %scan3A_72 : i32
    %scan3A_74 = arith.constant 1 : i32
    scf.for %scan3A_91 = %scan3A_71 to %scan3A_73 step %scan3A_74  : i32 {
      %mul3A_92 = arith.constant 5 : i32
      %mul3A_93 = arith.muli %scan3A_91, %mul3A_92 : i32
      %add3A_94 = arith.constant 0 : i32
      %add3A_95 = arith.addi %mul3A_93, %add3A_94 : i32
      %mul3A_96 = arith.constant 80 : i32
      %mul3A_97 = arith.muli %add3A_95, %mul3A_96 : i32
      %multiple_of3A_98 = tpu.assume_multiple %mul3A_97, 8 : i32
      %dma_wait3A = arith.constant 0 : i32
      %dma_wait3A_99 = arith.constant 0 : i32
      %dma_wait3A_100 = arith.constant 0 : i32
      %dma_wait3A_101 = tpu.memref_slice %arg10[%dma_wait3A, %dma_wait3A_99, %dma_wait3A_100] : memref<5x80x64xf32, #tpu.memory_space<vmem>> -> memref<1x80x64xf32, #tpu.memory_space<vmem>>
      %dma_wait3A_102 = tpu.memref_squeeze %dma_wait3A_101 : memref<1x80x64xf32, #tpu.memory_space<vmem>> -> memref<80x64xf32, #tpu.memory_space<vmem>>
      %dma_wait3A_103 = tpu.memref_slice %arg8[%multiple_of3A_98] : memref<10000xi32, #tpu.memory_space<vmem>> -> memref<80xi32, #tpu.memory_space<vmem>>
      %dma_wait3A_104 = arith.constant 0 : i32
      %dma_wait3A_105 = arith.constant 0 : i32
      %dma_wait3A_106 = tpu.memref_slice %arg2[%dma_wait3A_104, %dma_wait3A_105] : memref<10000x64xf32, #tpu.memory_space<hbm>> -> memref<10000x64xf32, #tpu.memory_space<hbm>>
      tpu.wait_indirect_dma semaphore(%arg16 : memref<!tpu.dma_semaphore, #tpu.memory_space<semaphore_mem>>) src(%dma_wait3A_106 : memref<10000x64xf32, #tpu.memory_space<hbm>>) dst(%dma_wait3A_102 : memref<80x64xf32, #tpu.memory_space<vmem>>)
      %mul3A_107 = arith.constant 80 : i32
      %mul3A_108 = arith.muli %add3A_95, %mul3A_107 : i32
      %multiple_of3A_109 = tpu.assume_multiple %mul3A_108, 8 : i32
      %dma_start3A_110 = arith.constant 0 : i32
      %dma_start3A_111 = arith.constant 0 : i32
      %dma_start3A_112 = arith.constant 0 : i32
      %dma_start3A_113 = tpu.memref_slice %arg10[%dma_start3A_110, %dma_start3A_111, %dma_start3A_112] : memref<5x80x64xf32, #tpu.memory_space<vmem>> -> memref<1x80x64xf32, #tpu.memory_space<vmem>>
      %dma_start3A_114 = tpu.memref_squeeze %dma_start3A_113 : memref<1x80x64xf32, #tpu.memory_space<vmem>> -> memref<80x64xf32, #tpu.memory_space<vmem>>
      %dma_start3A_115 = tpu.memref_slice %arg9[%multiple_of3A_109] : memref<10000xi32, #tpu.memory_space<vmem>> -> memref<80xi32, #tpu.memory_space<vmem>>
      %dma_start3A_116 = arith.constant 0 : i32
      %dma_start3A_117 = arith.constant 0 : i32
      %dma_start3A_118 = tpu.memref_slice %arg14[%dma_start3A_116, %dma_start3A_117] : memref<10000x64xf32, #tpu.memory_space<vmem_shared>> -> memref<10000x64xf32, #tpu.memory_space<vmem_shared>>
      tpu.enqueue_indirect_dma source(%dma_start3A_114 : memref<80x64xf32, #tpu.memory_space<vmem>>) target(%dma_start3A_118 : memref<10000x64xf32, #tpu.memory_space<vmem_shared>>) offsets(%dma_start3A_115 : memref<80xi32, #tpu.memory_space<vmem>>) semaphore(%arg17 : memref<!tpu.dma_semaphore, #tpu.memory_space<semaphore_mem>>) {add = true}
      %mul3A_119 = arith.constant 80 : i32
      %mul3A_120 = arith.muli %add3A_95, %mul3A_119 : i32
      %add3A_121 = arith.constant 0 : i32
      %add3A_122 = arith.addi %mul3A_120, %add3A_121 : i32
      %multiple_of3A_123 = tpu.assume_multiple %add3A_122, 16 : i32
      %get3A = arith.index_cast %multiple_of3A_123 : i32 to index
      %get3A_124 = tpu.vector_load %arg9[%get3A] {strides = array<i32>} : memref<10000xi32, #tpu.memory_space<vmem>>, vector<16xi32>,
      tpu.vector_store_idx %arg11[%get3A_124], %broadcast_in_dim3A_16 {add = true} : memref<10240xf32, #tpu.memory_space<vmem>>[vector<16xi32>], vector<16xf32>,
      %mul3A_125 = arith.constant 80 : i32
      %mul3A_126 = arith.muli %add3A_95, %mul3A_125 : i32
      %add3A_127 = arith.constant 16 : i32
      %add3A_128 = arith.addi %mul3A_126, %add3A_127 : i32
      %multiple_of3A_129 = tpu.assume_multiple %add3A_128, 16 : i32
      %get3A_130 = arith.index_cast %multiple_of3A_129 : i32 to index
      %get3A_131 = tpu.vector_load %arg9[%get3A_130] {strides = array<i32>} : memref<10000xi32, #tpu.memory_space<vmem>>, vector<16xi32>,
      tpu.vector_store_idx %arg11[%get3A_131], %broadcast_in_dim3A_16 {add = true} : memref<10240xf32, #tpu.memory_space<vmem>>[vector<16xi32>], vector<16xf32>,
      %mul3A_132 = arith.constant 80 : i32
      %mul3A_133 = arith.muli %add3A_95, %mul3A_132 : i32
      %add3A_134 = arith.constant 32 : i32
      %add3A_135 = arith.addi %mul3A_133, %add3A_134 : i32
      %multiple_of3A_136 = tpu.assume_multiple %add3A_135, 16 : i32
      %get3A_137 = arith.index_cast %multiple_of3A_136 : i32 to index
      %get3A_138 = tpu.vector_load %arg9[%get3A_137] {strides = array<i32>} : memref<10000xi32, #tpu.memory_space<vmem>>, vector<16xi32>,
      tpu.vector_store_idx %arg11[%get3A_138], %broadcast_in_dim3A_16 {add = true} : memref<10240xf32, #tpu.memory_space<vmem>>[vector<16xi32>], vector<16xf32>,
      %mul3A_139 = arith.constant 80 : i32
      %mul3A_140 = arith.muli %add3A_95, %mul3A_139 : i32
      %add3A_141 = arith.constant 48 : i32
      %add3A_142 = arith.addi %mul3A_140, %add3A_141 : i32
      %multiple_of3A_143 = tpu.assume_multiple %add3A_142, 16 : i32
      %get3A_144 = arith.index_cast %multiple_of3A_143 : i32 to index
      %get3A_145 = tpu.vector_load %arg9[%get3A_144] {strides = array<i32>} : memref<10000xi32, #tpu.memory_space<vmem>>, vector<16xi32>,
      tpu.vector_store_idx %arg11[%get3A_145], %broadcast_in_dim3A_16 {add = true} : memref<10240xf32, #tpu.memory_space<vmem>>[vector<16xi32>], vector<16xf32>,
      %mul3A_146 = arith.constant 80 : i32
      %mul3A_147 = arith.muli %add3A_95, %mul3A_146 : i32
      %add3A_148 = arith.constant 64 : i32
      %add3A_149 = arith.addi %mul3A_147, %add3A_148 : i32
      %multiple_of3A_150 = tpu.assume_multiple %add3A_149, 16 : i32
      %get3A_151 = arith.index_cast %multiple_of3A_150 : i32 to index
      %get3A_152 = tpu.vector_load %arg9[%get3A_151] {strides = array<i32>} : memref<10000xi32, #tpu.memory_space<vmem>>, vector<16xi32>,
      tpu.vector_store_idx %arg11[%get3A_152], %broadcast_in_dim3A_16 {add = true} : memref<10240xf32, #tpu.memory_space<vmem>>[vector<16xi32>], vector<16xf32>,
      %dma_wait3A_153 = arith.constant 0 : i32
      %dma_wait3A_154 = arith.constant 0 : i32
      %dma_wait3A_155 = arith.constant 0 : i32
      %dma_wait3A_156 = tpu.memref_slice %arg10[%dma_wait3A_153, %dma_wait3A_154, %dma_wait3A_155] : memref<5x80x64xf32, #tpu.memory_space<vmem>> -> memref<1x80x64xf32, #tpu.memory_space<vmem>>
      %dma_wait3A_157 = tpu.memref_squeeze %dma_wait3A_156 : memref<1x80x64xf32, #tpu.memory_space<vmem>> -> memref<80x64xf32, #tpu.memory_space<vmem>>
      %dma_wait3A_158 = tpu.memref_slice %arg9[%multiple_of3A_109] : memref<10000xi32, #tpu.memory_space<vmem>> -> memref<80xi32, #tpu.memory_space<vmem>>
      %dma_wait3A_159 = arith.constant 0 : i32
      %dma_wait3A_160 = arith.constant 0 : i32
      %dma_wait3A_161 = tpu.memref_slice %arg14[%dma_wait3A_159, %dma_wait3A_160] : memref<10000x64xf32, #tpu.memory_space<vmem_shared>> -> memref<10000x64xf32, #tpu.memory_space<vmem_shared>>
      tpu.wait_indirect_dma semaphore(%arg17 : memref<!tpu.dma_semaphore, #tpu.memory_space<semaphore_mem>>) src(%dma_wait3A_157 : memref<80x64xf32, #tpu.memory_space<vmem>>) dst(%dma_wait3A_161 : memref<10000x64xf32, #tpu.memory_space<vmem_shared>>)
      %add3A_162 = arith.constant 5 : i32
      %add3A_163 = arith.addi %add3A_95, %add3A_162 : i32
      %lt3A = arith.constant 125 : i32
      %lt3A_164 = arith.cmpi slt, %add3A_163, %lt3A : i32
      %convert_element_type3A = arith.extui %lt3A_164 : i1 to i32
      %cond3A = arith.constant 0 : i32
      %cond3A_165 = arith.cmpi ne, %convert_element_type3A, %cond3A : i32
      scf.if %cond3A_165 {
        %add3A_482 = arith.constant 5 : i32
        %add3A_483 = arith.addi %add3A_95, %add3A_482 : i32
        %mul3A_484 = arith.constant 80 : i32
        %mul3A_485 = arith.muli %add3A_483, %mul3A_484 : i32
        %multiple_of3A_486 = tpu.assume_multiple %mul3A_485, 8 : i32
        %dma_start3A_487 = arith.constant 0 : i32
        %dma_start3A_488 = arith.constant 0 : i32
        %dma_start3A_489 = arith.constant 0 : i32
        %dma_start3A_490 = tpu.memref_slice %arg10[%dma_start3A_487, %dma_start3A_488, %dma_start3A_489] : memref<5x80x64xf32, #tpu.memory_space<vmem>> -> memref<1x80x64xf32, #tpu.memory_space<vmem>>
        %dma_start3A_491 = tpu.memref_squeeze %dma_start3A_490 : memref<1x80x64xf32, #tpu.memory_space<vmem>> -> memref<80x64xf32, #tpu.memory_space<vmem>>
        %dma_start3A_492 = tpu.memref_slice %arg8[%multiple_of3A_486] : memref<10000xi32, #tpu.memory_space<vmem>> -> memref<80xi32, #tpu.memory_space<vmem>>
        %dma_start3A_493 = arith.constant 0 : i32
        %dma_start3A_494 = arith.constant 0 : i32
        %dma_start3A_495 = tpu.memref_slice %arg2[%dma_start3A_493, %dma_start3A_494] : memref<10000x64xf32, #tpu.memory_space<hbm>> -> memref<10000x64xf32, #tpu.memory_space<hbm>>
        tpu.enqueue_indirect_dma source(%dma_start3A_495 : memref<10000x64xf32, #tpu.memory_space<hbm>>) target(%dma_start3A_491 : memref<80x64xf32, #tpu.memory_space<vmem>>) offsets(%dma_start3A_492 : memref<80xi32, #tpu.memory_space<vmem>>) semaphore(%arg16 : memref<!tpu.dma_semaphore, #tpu.memory_space<semaphore_mem>>)
      } else {
      }
      %mul3A_166 = arith.constant 5 : i32
      %mul3A_167 = arith.muli %scan3A_91, %mul3A_166 : i32
      %add3A_168 = arith.constant 1 : i32
      %add3A_169 = arith.addi %mul3A_167, %add3A_168 : i32
      %mul3A_170 = arith.constant 80 : i32
      %mul3A_171 = arith.muli %add3A_169, %mul3A_170 : i32
      %multiple_of3A_172 = tpu.assume_multiple %mul3A_171, 8 : i32
      %dma_wait3A_173 = arith.constant 1 : i32
      %dma_wait3A_174 = arith.constant 0 : i32
      %dma_wait3A_175 = arith.constant 0 : i32
      %dma_wait3A_176 = tpu.memref_slice %arg10[%dma_wait3A_173, %dma_wait3A_174, %dma_wait3A_175] : memref<5x80x64xf32, #tpu.memory_space<vmem>> -> memref<1x80x64xf32, #tpu.memory_space<vmem>>
      %dma_wait3A_177 = tpu.memref_squeeze %dma_wait3A_176 : memref<1x80x64xf32, #tpu.memory_space<vmem>> -> memref<80x64xf32, #tpu.memory_space<vmem>>
      %dma_wait3A_178 = tpu.memref_slice %arg8[%multiple_of3A_172] : memref<10000xi32, #tpu.memory_space<vmem>> -> memref<80xi32, #tpu.memory_space<vmem>>
      %dma_wait3A_179 = arith.constant 0 : i32
      %dma_wait3A_180 = arith.constant 0 : i32
      %dma_wait3A_181 = tpu.memref_slice %arg2[%dma_wait3A_179, %dma_wait3A_180] : memref<10000x64xf32, #tpu.memory_space<hbm>> -> memref<10000x64xf32, #tpu.memory_space<hbm>>
      tpu.wait_indirect_dma semaphore(%arg16 : memref<!tpu.dma_semaphore, #tpu.memory_space<semaphore_mem>>) src(%dma_wait3A_181 : memref<10000x64xf32, #tpu.memory_space<hbm>>) dst(%dma_wait3A_177 : memref<80x64xf32, #tpu.memory_space<vmem>>)
      %mul3A_182 = arith.constant 80 : i32
      %mul3A_183 = arith.muli %add3A_169, %mul3A_182 : i32
      %multiple_of3A_184 = tpu.assume_multiple %mul3A_183, 8 : i32
      %dma_start3A_185 = arith.constant 1 : i32
      %dma_start3A_186 = arith.constant 0 : i32
      %dma_start3A_187 = arith.constant 0 : i32
      %dma_start3A_188 = tpu.memref_slice %arg10[%dma_start3A_185, %dma_start3A_186, %dma_start3A_187] : memref<5x80x64xf32, #tpu.memory_space<vmem>> -> memref<1x80x64xf32, #tpu.memory_space<vmem>>
      %dma_start3A_189 = tpu.memref_squeeze %dma_start3A_188 : memref<1x80x64xf32, #tpu.memory_space<vmem>> -> memref<80x64xf32, #tpu.memory_space<vmem>>
      %dma_start3A_190 = tpu.memref_slice %arg9[%multiple_of3A_184] : memref<10000xi32, #tpu.memory_space<vmem>> -> memref<80xi32, #tpu.memory_space<vmem>>
      %dma_start3A_191 = arith.constant 0 : i32
      %dma_start3A_192 = arith.constant 0 : i32
      %dma_start3A_193 = tpu.memref_slice %arg14[%dma_start3A_191, %dma_start3A_192] : memref<10000x64xf32, #tpu.memory_space<vmem_shared>> -> memref<10000x64xf32, #tpu.memory_space<vmem_shared>>
      tpu.enqueue_indirect_dma source(%dma_start3A_189 : memref<80x64xf32, #tpu.memory_space<vmem>>) target(%dma_start3A_193 : memref<10000x64xf32, #tpu.memory_space<vmem_shared>>) offsets(%dma_start3A_190 : memref<80xi32, #tpu.memory_space<vmem>>) semaphore(%arg17 : memref<!tpu.dma_semaphore, #tpu.memory_space<semaphore_mem>>) {add = true}
      %mul3A_194 = arith.constant 80 : i32
      %mul3A_195 = arith.muli %add3A_169, %mul3A_194 : i32
      %add3A_196 = arith.constant 0 : i32
      %add3A_197 = arith.addi %mul3A_195, %add3A_196 : i32
      %multiple_of3A_198 = tpu.assume_multiple %add3A_197, 16 : i32
      %get3A_199 = arith.index_cast %multiple_of3A_198 : i32 to index
      %get3A_200 = tpu.vector_load %arg9[%get3A_199] {strides = array<i32>} : memref<10000xi32, #tpu.memory_space<vmem>>, vector<16xi32>,
      tpu.vector_store_idx %arg11[%get3A_200], %broadcast_in_dim3A_16 {add = true} : memref<10240xf32, #tpu.memory_space<vmem>>[vector<16xi32>], vector<16xf32>,
      %mul3A_201 = arith.constant 80 : i32
      %mul3A_202 = arith.muli %add3A_169, %mul3A_201 : i32
      %add3A_203 = arith.constant 16 : i32
      %add3A_204 = arith.addi %mul3A_202, %add3A_203 : i32
      %multiple_of3A_205 = tpu.assume_multiple %add3A_204, 16 : i32
      %get3A_206 = arith.index_cast %multiple_of3A_205 : i32 to index
      %get3A_207 = tpu.vector_load %arg9[%get3A_206] {strides = array<i32>} : memref<10000xi32, #tpu.memory_space<vmem>>, vector<16xi32>,
      tpu.vector_store_idx %arg11[%get3A_207], %broadcast_in_dim3A_16 {add = true} : memref<10240xf32, #tpu.memory_space<vmem>>[vector<16xi32>], vector<16xf32>,
      %mul3A_208 = arith.constant 80 : i32
      %mul3A_209 = arith.muli %add3A_169, %mul3A_208 : i32
      %add3A_210 = arith.constant 32 : i32
      %add3A_211 = arith.addi %mul3A_209, %add3A_210 : i32
      %multiple_of3A_212 = tpu.assume_multiple %add3A_211, 16 : i32
      %get3A_213 = arith.index_cast %multiple_of3A_212 : i32 to index
      %get3A_214 = tpu.vector_load %arg9[%get3A_213] {strides = array<i32>} : memref<10000xi32, #tpu.memory_space<vmem>>, vector<16xi32>,
      tpu.vector_store_idx %arg11[%get3A_214], %broadcast_in_dim3A_16 {add = true} : memref<10240xf32, #tpu.memory_space<vmem>>[vector<16xi32>], vector<16xf32>,
      %mul3A_215 = arith.constant 80 : i32
      %mul3A_216 = arith.muli %add3A_169, %mul3A_215 : i32
      %add3A_217 = arith.constant 48 : i32
      %add3A_218 = arith.addi %mul3A_216, %add3A_217 : i32
      %multiple_of3A_219 = tpu.assume_multiple %add3A_218, 16 : i32
      %get3A_220 = arith.index_cast %multiple_of3A_219 : i32 to index
      %get3A_221 = tpu.vector_load %arg9[%get3A_220] {strides = array<i32>} : memref<10000xi32, #tpu.memory_space<vmem>>, vector<16xi32>,
      tpu.vector_store_idx %arg11[%get3A_221], %broadcast_in_dim3A_16 {add = true} : memref<10240xf32, #tpu.memory_space<vmem>>[vector<16xi32>], vector<16xf32>,
      %mul3A_222 = arith.constant 80 : i32
      %mul3A_223 = arith.muli %add3A_169, %mul3A_222 : i32
      %add3A_224 = arith.constant 64 : i32
      %add3A_225 = arith.addi %mul3A_223, %add3A_224 : i32
      %multiple_of3A_226 = tpu.assume_multiple %add3A_225, 16 : i32
      %get3A_227 = arith.index_cast %multiple_of3A_226 : i32 to index
      %get3A_228 = tpu.vector_load %arg9[%get3A_227] {strides = array<i32>} : memref<10000xi32, #tpu.memory_space<vmem>>, vector<16xi32>,
      tpu.vector_store_idx %arg11[%get3A_228], %broadcast_in_dim3A_16 {add = true} : memref<10240xf32, #tpu.memory_space<vmem>>[vector<16xi32>], vector<16xf32>,
      %dma_wait3A_229 = arith.constant 1 : i32
      %dma_wait3A_230 = arith.constant 0 : i32
      %dma_wait3A_231 = arith.constant 0 : i32
      %dma_wait3A_232 = tpu.memref_slice %arg10[%dma_wait3A_229, %dma_wait3A_230, %dma_wait3A_231] : memref<5x80x64xf32, #tpu.memory_space<vmem>> -> memref<1x80x64xf32, #tpu.memory_space<vmem>>
      %dma_wait3A_233 = tpu.memref_squeeze %dma_wait3A_232 : memref<1x80x64xf32, #tpu.memory_space<vmem>> -> memref<80x64xf32, #tpu.memory_space<vmem>>
      %dma_wait3A_234 = tpu.memref_slice %arg9[%multiple_of3A_184] : memref<10000xi32, #tpu.memory_space<vmem>> -> memref<80xi32, #tpu.memory_space<vmem>>
      %dma_wait3A_235 = arith.constant 0 : i32
      %dma_wait3A_236 = arith.constant 0 : i32
      %dma_wait3A_237 = tpu.memref_slice %arg14[%dma_wait3A_235, %dma_wait3A_236] : memref<10000x64xf32, #tpu.memory_space<vmem_shared>> -> memref<10000x64xf32, #tpu.memory_space<vmem_shared>>
      tpu.wait_indirect_dma semaphore(%arg17 : memref<!tpu.dma_semaphore, #tpu.memory_space<semaphore_mem>>) src(%dma_wait3A_233 : memref<80x64xf32, #tpu.memory_space<vmem>>) dst(%dma_wait3A_237 : memref<10000x64xf32, #tpu.memory_space<vmem_shared>>)
      %add3A_238 = arith.constant 5 : i32
      %add3A_239 = arith.addi %add3A_169, %add3A_238 : i32
      %lt3A_240 = arith.constant 125 : i32
      %lt3A_241 = arith.cmpi slt, %add3A_239, %lt3A_240 : i32
      %convert_element_type3A_242 = arith.extui %lt3A_241 : i1 to i32
      %cond3A_243 = arith.constant 0 : i32
      %cond3A_244 = arith.cmpi ne, %convert_element_type3A_242, %cond3A_243 : i32
      scf.if %cond3A_244 {
        %add3A_482 = arith.constant 5 : i32
        %add3A_483 = arith.addi %add3A_169, %add3A_482 : i32
        %mul3A_484 = arith.constant 80 : i32
        %mul3A_485 = arith.muli %add3A_483, %mul3A_484 : i32
        %multiple_of3A_486 = tpu.assume_multiple %mul3A_485, 8 : i32
        %dma_start3A_487 = arith.constant 1 : i32
        %dma_start3A_488 = arith.constant 0 : i32
        %dma_start3A_489 = arith.constant 0 : i32
        %dma_start3A_490 = tpu.memref_slice %arg10[%dma_start3A_487, %dma_start3A_488, %dma_start3A_489] : memref<5x80x64xf32, #tpu.memory_space<vmem>> -> memref<1x80x64xf32, #tpu.memory_space<vmem>>
        %dma_start3A_491 = tpu.memref_squeeze %dma_start3A_490 : memref<1x80x64xf32, #tpu.memory_space<vmem>> -> memref<80x64xf32, #tpu.memory_space<vmem>>
        %dma_start3A_492 = tpu.memref_slice %arg8[%multiple_of3A_486] : memref<10000xi32, #tpu.memory_space<vmem>> -> memref<80xi32, #tpu.memory_space<vmem>>
        %dma_start3A_493 = arith.constant 0 : i32
        %dma_start3A_494 = arith.constant 0 : i32
        %dma_start3A_495 = tpu.memref_slice %arg2[%dma_start3A_493, %dma_start3A_494] : memref<10000x64xf32, #tpu.memory_space<hbm>> -> memref<10000x64xf32, #tpu.memory_space<hbm>>
        tpu.enqueue_indirect_dma source(%dma_start3A_495 : memref<10000x64xf32, #tpu.memory_space<hbm>>) target(%dma_start3A_491 : memref<80x64xf32, #tpu.memory_space<vmem>>) offsets(%dma_start3A_492 : memref<80xi32, #tpu.memory_space<vmem>>) semaphore(%arg16 : memref<!tpu.dma_semaphore, #tpu.memory_space<semaphore_mem>>)
      } else {
      }
      %mul3A_245 = arith.constant 5 : i32
      %mul3A_246 = arith.muli %scan3A_91, %mul3A_245 : i32
      %add3A_247 = arith.constant 2 : i32
      %add3A_248 = arith.addi %mul3A_246, %add3A_247 : i32
      %mul3A_249 = arith.constant 80 : i32
      %mul3A_250 = arith.muli %add3A_248, %mul3A_249 : i32
      %multiple_of3A_251 = tpu.assume_multiple %mul3A_250, 8 : i32
      %dma_wait3A_252 = arith.constant 2 : i32
      %dma_wait3A_253 = arith.constant 0 : i32
      %dma_wait3A_254 = arith.constant 0 : i32
      %dma_wait3A_255 = tpu.memref_slice %arg10[%dma_wait3A_252, %dma_wait3A_253, %dma_wait3A_254] : memref<5x80x64xf32, #tpu.memory_space<vmem>> -> memref<1x80x64xf32, #tpu.memory_space<vmem>>
      %dma_wait3A_256 = tpu.memref_squeeze %dma_wait3A_255 : memref<1x80x64xf32, #tpu.memory_space<vmem>> -> memref<80x64xf32, #tpu.memory_space<vmem>>
      %dma_wait3A_257 = tpu.memref_slice %arg8[%multiple_of3A_251] : memref<10000xi32, #tpu.memory_space<vmem>> -> memref<80xi32, #tpu.memory_space<vmem>>
      %dma_wait3A_258 = arith.constant 0 : i32
      %dma_wait3A_259 = arith.constant 0 : i32
      %dma_wait3A_260 = tpu.memref_slice %arg2[%dma_wait3A_258, %dma_wait3A_259] : memref<10000x64xf32, #tpu.memory_space<hbm>> -> memref<10000x64xf32, #tpu.memory_space<hbm>>
      tpu.wait_indirect_dma semaphore(%arg16 : memref<!tpu.dma_semaphore, #tpu.memory_space<semaphore_mem>>) src(%dma_wait3A_260 : memref<10000x64xf32, #tpu.memory_space<hbm>>) dst(%dma_wait3A_256 : memref<80x64xf32, #tpu.memory_space<vmem>>)
      %mul3A_261 = arith.constant 80 : i32
      %mul3A_262 = arith.muli %add3A_248, %mul3A_261 : i32
      %multiple_of3A_263 = tpu.assume_multiple %mul3A_262, 8 : i32
      %dma_start3A_264 = arith.constant 2 : i32
      %dma_start3A_265 = arith.constant 0 : i32
      %dma_start3A_266 = arith.constant 0 : i32
      %dma_start3A_267 = tpu.memref_slice %arg10[%dma_start3A_264, %dma_start3A_265, %dma_start3A_266] : memref<5x80x64xf32, #tpu.memory_space<vmem>> -> memref<1x80x64xf32, #tpu.memory_space<vmem>>
      %dma_start3A_268 = tpu.memref_squeeze %dma_start3A_267 : memref<1x80x64xf32, #tpu.memory_space<vmem>> -> memref<80x64xf32, #tpu.memory_space<vmem>>
      %dma_start3A_269 = tpu.memref_slice %arg9[%multiple_of3A_263] : memref<10000xi32, #tpu.memory_space<vmem>> -> memref<80xi32, #tpu.memory_space<vmem>>
      %dma_start3A_270 = arith.constant 0 : i32
      %dma_start3A_271 = arith.constant 0 : i32
      %dma_start3A_272 = tpu.memref_slice %arg14[%dma_start3A_270, %dma_start3A_271] : memref<10000x64xf32, #tpu.memory_space<vmem_shared>> -> memref<10000x64xf32, #tpu.memory_space<vmem_shared>>
      tpu.enqueue_indirect_dma source(%dma_start3A_268 : memref<80x64xf32, #tpu.memory_space<vmem>>) target(%dma_start3A_272 : memref<10000x64xf32, #tpu.memory_space<vmem_shared>>) offsets(%dma_start3A_269 : memref<80xi32, #tpu.memory_space<vmem>>) semaphore(%arg17 : memref<!tpu.dma_semaphore, #tpu.memory_space<semaphore_mem>>) {add = true}
      %mul3A_273 = arith.constant 80 : i32
      %mul3A_274 = arith.muli %add3A_248, %mul3A_273 : i32
      %add3A_275 = arith.constant 0 : i32
      %add3A_276 = arith.addi %mul3A_274, %add3A_275 : i32
      %multiple_of3A_277 = tpu.assume_multiple %add3A_276, 16 : i32
      %get3A_278 = arith.index_cast %multiple_of3A_277 : i32 to index
      %get3A_279 = tpu.vector_load %arg9[%get3A_278] {strides = array<i32>} : memref<10000xi32, #tpu.memory_space<vmem>>, vector<16xi32>,
      tpu.vector_store_idx %arg11[%get3A_279], %broadcast_in_dim3A_16 {add = true} : memref<10240xf32, #tpu.memory_space<vmem>>[vector<16xi32>], vector<16xf32>,
      %mul3A_280 = arith.constant 80 : i32
      %mul3A_281 = arith.muli %add3A_248, %mul3A_280 : i32
      %add3A_282 = arith.constant 16 : i32
      %add3A_283 = arith.addi %mul3A_281, %add3A_282 : i32
      %multiple_of3A_284 = tpu.assume_multiple %add3A_283, 16 : i32
      %get3A_285 = arith.index_cast %multiple_of3A_284 : i32 to index
      %get3A_286 = tpu.vector_load %arg9[%get3A_285] {strides = array<i32>} : memref<10000xi32, #tpu.memory_space<vmem>>, vector<16xi32>,
      tpu.vector_store_idx %arg11[%get3A_286], %broadcast_in_dim3A_16 {add = true} : memref<10240xf32, #tpu.memory_space<vmem>>[vector<16xi32>], vector<16xf32>,
      %mul3A_287 = arith.constant 80 : i32
      %mul3A_288 = arith.muli %add3A_248, %mul3A_287 : i32
      %add3A_289 = arith.constant 32 : i32
      %add3A_290 = arith.addi %mul3A_288, %add3A_289 : i32
      %multiple_of3A_291 = tpu.assume_multiple %add3A_290, 16 : i32
      %get3A_292 = arith.index_cast %multiple_of3A_291 : i32 to index
      %get3A_293 = tpu.vector_load %arg9[%get3A_292] {strides = array<i32>} : memref<10000xi32, #tpu.memory_space<vmem>>, vector<16xi32>,
      tpu.vector_store_idx %arg11[%get3A_293], %broadcast_in_dim3A_16 {add = true} : memref<10240xf32, #tpu.memory_space<vmem>>[vector<16xi32>], vector<16xf32>,
      %mul3A_294 = arith.constant 80 : i32
      %mul3A_295 = arith.muli %add3A_248, %mul3A_294 : i32
      %add3A_296 = arith.constant 48 : i32
      %add3A_297 = arith.addi %mul3A_295, %add3A_296 : i32
      %multiple_of3A_298 = tpu.assume_multiple %add3A_297, 16 : i32
      %get3A_299 = arith.index_cast %multiple_of3A_298 : i32 to index
      %get3A_300 = tpu.vector_load %arg9[%get3A_299] {strides = array<i32>} : memref<10000xi32, #tpu.memory_space<vmem>>, vector<16xi32>,
      tpu.vector_store_idx %arg11[%get3A_300], %broadcast_in_dim3A_16 {add = true} : memref<10240xf32, #tpu.memory_space<vmem>>[vector<16xi32>], vector<16xf32>,
      %mul3A_301 = arith.constant 80 : i32
      %mul3A_302 = arith.muli %add3A_248, %mul3A_301 : i32
      %add3A_303 = arith.constant 64 : i32
      %add3A_304 = arith.addi %mul3A_302, %add3A_303 : i32
      %multiple_of3A_305 = tpu.assume_multiple %add3A_304, 16 : i32
      %get3A_306 = arith.index_cast %multiple_of3A_305 : i32 to index
      %get3A_307 = tpu.vector_load %arg9[%get3A_306] {strides = array<i32>} : memref<10000xi32, #tpu.memory_space<vmem>>, vector<16xi32>,
      tpu.vector_store_idx %arg11[%get3A_307], %broadcast_in_dim3A_16 {add = true} : memref<10240xf32, #tpu.memory_space<vmem>>[vector<16xi32>], vector<16xf32>,
      %dma_wait3A_308 = arith.constant 2 : i32
      %dma_wait3A_309 = arith.constant 0 : i32
      %dma_wait3A_310 = arith.constant 0 : i32
      %dma_wait3A_311 = tpu.memref_slice %arg10[%dma_wait3A_308, %dma_wait3A_309, %dma_wait3A_310] : memref<5x80x64xf32, #tpu.memory_space<vmem>> -> memref<1x80x64xf32, #tpu.memory_space<vmem>>
      %dma_wait3A_312 = tpu.memref_squeeze %dma_wait3A_311 : memref<1x80x64xf32, #tpu.memory_space<vmem>> -> memref<80x64xf32, #tpu.memory_space<vmem>>
      %dma_wait3A_313 = tpu.memref_slice %arg9[%multiple_of3A_263] : memref<10000xi32, #tpu.memory_space<vmem>> -> memref<80xi32, #tpu.memory_space<vmem>>
      %dma_wait3A_314 = arith.constant 0 : i32
      %dma_wait3A_315 = arith.constant 0 : i32
      %dma_wait3A_316 = tpu.memref_slice %arg14[%dma_wait3A_314, %dma_wait3A_315] : memref<10000x64xf32, #tpu.memory_space<vmem_shared>> -> memref<10000x64xf32, #tpu.memory_space<vmem_shared>>
      tpu.wait_indirect_dma semaphore(%arg17 : memref<!tpu.dma_semaphore, #tpu.memory_space<semaphore_mem>>) src(%dma_wait3A_312 : memref<80x64xf32, #tpu.memory_space<vmem>>) dst(%dma_wait3A_316 : memref<10000x64xf32, #tpu.memory_space<vmem_shared>>)
      %add3A_317 = arith.constant 5 : i32
      %add3A_318 = arith.addi %add3A_248, %add3A_317 : i32
      %lt3A_319 = arith.constant 125 : i32
      %lt3A_320 = arith.cmpi slt, %add3A_318, %lt3A_319 : i32
      %convert_element_type3A_321 = arith.extui %lt3A_320 : i1 to i32
      %cond3A_322 = arith.constant 0 : i32
      %cond3A_323 = arith.cmpi ne, %convert_element_type3A_321, %cond3A_322 : i32
      scf.if %cond3A_323 {
        %add3A_482 = arith.constant 5 : i32
        %add3A_483 = arith.addi %add3A_248, %add3A_482 : i32
        %mul3A_484 = arith.constant 80 : i32
        %mul3A_485 = arith.muli %add3A_483, %mul3A_484 : i32
        %multiple_of3A_486 = tpu.assume_multiple %mul3A_485, 8 : i32
        %dma_start3A_487 = arith.constant 2 : i32
        %dma_start3A_488 = arith.constant 0 : i32
        %dma_start3A_489 = arith.constant 0 : i32
        %dma_start3A_490 = tpu.memref_slice %arg10[%dma_start3A_487, %dma_start3A_488, %dma_start3A_489] : memref<5x80x64xf32, #tpu.memory_space<vmem>> -> memref<1x80x64xf32, #tpu.memory_space<vmem>>
        %dma_start3A_491 = tpu.memref_squeeze %dma_start3A_490 : memref<1x80x64xf32, #tpu.memory_space<vmem>> -> memref<80x64xf32, #tpu.memory_space<vmem>>
        %dma_start3A_492 = tpu.memref_slice %arg8[%multiple_of3A_486] : memref<10000xi32, #tpu.memory_space<vmem>> -> memref<80xi32, #tpu.memory_space<vmem>>
        %dma_start3A_493 = arith.constant 0 : i32
        %dma_start3A_494 = arith.constant 0 : i32
        %dma_start3A_495 = tpu.memref_slice %arg2[%dma_start3A_493, %dma_start3A_494] : memref<10000x64xf32, #tpu.memory_space<hbm>> -> memref<10000x64xf32, #tpu.memory_space<hbm>>
        tpu.enqueue_indirect_dma source(%dma_start3A_495 : memref<10000x64xf32, #tpu.memory_space<hbm>>) target(%dma_start3A_491 : memref<80x64xf32, #tpu.memory_space<vmem>>) offsets(%dma_start3A_492 : memref<80xi32, #tpu.memory_space<vmem>>) semaphore(%arg16 : memref<!tpu.dma_semaphore, #tpu.memory_space<semaphore_mem>>)
      } else {
      }
      %mul3A_324 = arith.constant 5 : i32
      %mul3A_325 = arith.muli %scan3A_91, %mul3A_324 : i32
      %add3A_326 = arith.constant 3 : i32
      %add3A_327 = arith.addi %mul3A_325, %add3A_326 : i32
      %mul3A_328 = arith.constant 80 : i32
      %mul3A_329 = arith.muli %add3A_327, %mul3A_328 : i32
      %multiple_of3A_330 = tpu.assume_multiple %mul3A_329, 8 : i32
      %dma_wait3A_331 = arith.constant 3 : i32
      %dma_wait3A_332 = arith.constant 0 : i32
      %dma_wait3A_333 = arith.constant 0 : i32
      %dma_wait3A_334 = tpu.memref_slice %arg10[%dma_wait3A_331, %dma_wait3A_332, %dma_wait3A_333] : memref<5x80x64xf32, #tpu.memory_space<vmem>> -> memref<1x80x64xf32, #tpu.memory_space<vmem>>
      %dma_wait3A_335 = tpu.memref_squeeze %dma_wait3A_334 : memref<1x80x64xf32, #tpu.memory_space<vmem>> -> memref<80x64xf32, #tpu.memory_space<vmem>>
      %dma_wait3A_336 = tpu.memref_slice %arg8[%multiple_of3A_330] : memref<10000xi32, #tpu.memory_space<vmem>> -> memref<80xi32, #tpu.memory_space<vmem>>
      %dma_wait3A_337 = arith.constant 0 : i32
      %dma_wait3A_338 = arith.constant 0 : i32
      %dma_wait3A_339 = tpu.memref_slice %arg2[%dma_wait3A_337, %dma_wait3A_338] : memref<10000x64xf32, #tpu.memory_space<hbm>> -> memref<10000x64xf32, #tpu.memory_space<hbm>>
      tpu.wait_indirect_dma semaphore(%arg16 : memref<!tpu.dma_semaphore, #tpu.memory_space<semaphore_mem>>) src(%dma_wait3A_339 : memref<10000x64xf32, #tpu.memory_space<hbm>>) dst(%dma_wait3A_335 : memref<80x64xf32, #tpu.memory_space<vmem>>)
      %mul3A_340 = arith.constant 80 : i32
      %mul3A_341 = arith.muli %add3A_327, %mul3A_340 : i32
      %multiple_of3A_342 = tpu.assume_multiple %mul3A_341, 8 : i32
      %dma_start3A_343 = arith.constant 3 : i32
      %dma_start3A_344 = arith.constant 0 : i32
      %dma_start3A_345 = arith.constant 0 : i32
      %dma_start3A_346 = tpu.memref_slice %arg10[%dma_start3A_343, %dma_start3A_344, %dma_start3A_345] : memref<5x80x64xf32, #tpu.memory_space<vmem>> -> memref<1x80x64xf32, #tpu.memory_space<vmem>>
      %dma_start3A_347 = tpu.memref_squeeze %dma_start3A_346 : memref<1x80x64xf32, #tpu.memory_space<vmem>> -> memref<80x64xf32, #tpu.memory_space<vmem>>
      %dma_start3A_348 = tpu.memref_slice %arg9[%multiple_of3A_342] : memref<10000xi32, #tpu.memory_space<vmem>> -> memref<80xi32, #tpu.memory_space<vmem>>
      %dma_start3A_349 = arith.constant 0 : i32
      %dma_start3A_350 = arith.constant 0 : i32
      %dma_start3A_351 = tpu.memref_slice %arg14[%dma_start3A_349, %dma_start3A_350] : memref<10000x64xf32, #tpu.memory_space<vmem_shared>> -> memref<10000x64xf32, #tpu.memory_space<vmem_shared>>
      tpu.enqueue_indirect_dma source(%dma_start3A_347 : memref<80x64xf32, #tpu.memory_space<vmem>>) target(%dma_start3A_351 : memref<10000x64xf32, #tpu.memory_space<vmem_shared>>) offsets(%dma_start3A_348 : memref<80xi32, #tpu.memory_space<vmem>>) semaphore(%arg17 : memref<!tpu.dma_semaphore, #tpu.memory_space<semaphore_mem>>) {add = true}
      %mul3A_352 = arith.constant 80 : i32
      %mul3A_353 = arith.muli %add3A_327, %mul3A_352 : i32
      %add3A_354 = arith.constant 0 : i32
      %add3A_355 = arith.addi %mul3A_353, %add3A_354 : i32
      %multiple_of3A_356 = tpu.assume_multiple %add3A_355, 16 : i32
      %get3A_357 = arith.index_cast %multiple_of3A_356 : i32 to index
      %get3A_358 = tpu.vector_load %arg9[%get3A_357] {strides = array<i32>} : memref<10000xi32, #tpu.memory_space<vmem>>, vector<16xi32>,
      tpu.vector_store_idx %arg11[%get3A_358], %broadcast_in_dim3A_16 {add = true} : memref<10240xf32, #tpu.memory_space<vmem>>[vector<16xi32>], vector<16xf32>,
      %mul3A_359 = arith.constant 80 : i32
      %mul3A_360 = arith.muli %add3A_327, %mul3A_359 : i32
      %add3A_361 = arith.constant 16 : i32
      %add3A_362 = arith.addi %mul3A_360, %add3A_361 : i32
      %multiple_of3A_363 = tpu.assume_multiple %add3A_362, 16 : i32
      %get3A_364 = arith.index_cast %multiple_of3A_363 : i32 to index
      %get3A_365 = tpu.vector_load %arg9[%get3A_364] {strides = array<i32>} : memref<10000xi32, #tpu.memory_space<vmem>>, vector<16xi32>,
      tpu.vector_store_idx %arg11[%get3A_365], %broadcast_in_dim3A_16 {add = true} : memref<10240xf32, #tpu.memory_space<vmem>>[vector<16xi32>], vector<16xf32>,
      %mul3A_366 = arith.constant 80 : i32
      %mul3A_367 = arith.muli %add3A_327, %mul3A_366 : i32
      %add3A_368 = arith.constant 32 : i32
      %add3A_369 = arith.addi %mul3A_367, %add3A_368 : i32
      %multiple_of3A_370 = tpu.assume_multiple %add3A_369, 16 : i32
      %get3A_371 = arith.index_cast %multiple_of3A_370 : i32 to index
      %get3A_372 = tpu.vector_load %arg9[%get3A_371] {strides = array<i32>} : memref<10000xi32, #tpu.memory_space<vmem>>, vector<16xi32>,
      tpu.vector_store_idx %arg11[%get3A_372], %broadcast_in_dim3A_16 {add = true} : memref<10240xf32, #tpu.memory_space<vmem>>[vector<16xi32>], vector<16xf32>,
      %mul3A_373 = arith.constant 80 : i32
      %mul3A_374 = arith.muli %add3A_327, %mul3A_373 : i32
      %add3A_375 = arith.constant 48 : i32
      %add3A_376 = arith.addi %mul3A_374, %add3A_375 : i32
      %multiple_of3A_377 = tpu.assume_multiple %add3A_376, 16 : i32
      %get3A_378 = arith.index_cast %multiple_of3A_377 : i32 to index
      %get3A_379 = tpu.vector_load %arg9[%get3A_378] {strides = array<i32>} : memref<10000xi32, #tpu.memory_space<vmem>>, vector<16xi32>,
      tpu.vector_store_idx %arg11[%get3A_379], %broadcast_in_dim3A_16 {add = true} : memref<10240xf32, #tpu.memory_space<vmem>>[vector<16xi32>], vector<16xf32>,
      %mul3A_380 = arith.constant 80 : i32
      %mul3A_381 = arith.muli %add3A_327, %mul3A_380 : i32
      %add3A_382 = arith.constant 64 : i32
      %add3A_383 = arith.addi %mul3A_381, %add3A_382 : i32
      %multiple_of3A_384 = tpu.assume_multiple %add3A_383, 16 : i32
      %get3A_385 = arith.index_cast %multiple_of3A_384 : i32 to index
      %get3A_386 = tpu.vector_load %arg9[%get3A_385] {strides = array<i32>} : memref<10000xi32, #tpu.memory_space<vmem>>, vector<16xi32>,
      tpu.vector_store_idx %arg11[%get3A_386], %broadcast_in_dim3A_16 {add = true} : memref<10240xf32, #tpu.memory_space<vmem>>[vector<16xi32>], vector<16xf32>,
      %dma_wait3A_387 = arith.constant 3 : i32
      %dma_wait3A_388 = arith.constant 0 : i32
      %dma_wait3A_389 = arith.constant 0 : i32
      %dma_wait3A_390 = tpu.memref_slice %arg10[%dma_wait3A_387, %dma_wait3A_388, %dma_wait3A_389] : memref<5x80x64xf32, #tpu.memory_space<vmem>> -> memref<1x80x64xf32, #tpu.memory_space<vmem>>
      %dma_wait3A_391 = tpu.memref_squeeze %dma_wait3A_390 : memref<1x80x64xf32, #tpu.memory_space<vmem>> -> memref<80x64xf32, #tpu.memory_space<vmem>>
      %dma_wait3A_392 = tpu.memref_slice %arg9[%multiple_of3A_342] : memref<10000xi32, #tpu.memory_space<vmem>> -> memref<80xi32, #tpu.memory_space<vmem>>
      %dma_wait3A_393 = arith.constant 0 : i32
      %dma_wait3A_394 = arith.constant 0 : i32
      %dma_wait3A_395 = tpu.memref_slice %arg14[%dma_wait3A_393, %dma_wait3A_394] : memref<10000x64xf32, #tpu.memory_space<vmem_shared>> -> memref<10000x64xf32, #tpu.memory_space<vmem_shared>>
      tpu.wait_indirect_dma semaphore(%arg17 : memref<!tpu.dma_semaphore, #tpu.memory_space<semaphore_mem>>) src(%dma_wait3A_391 : memref<80x64xf32, #tpu.memory_space<vmem>>) dst(%dma_wait3A_395 : memref<10000x64xf32, #tpu.memory_space<vmem_shared>>)
      %add3A_396 = arith.constant 5 : i32
      %add3A_397 = arith.addi %add3A_327, %add3A_396 : i32
      %lt3A_398 = arith.constant 125 : i32
      %lt3A_399 = arith.cmpi slt, %add3A_397, %lt3A_398 : i32
      %convert_element_type3A_400 = arith.extui %lt3A_399 : i1 to i32
      %cond3A_401 = arith.constant 0 : i32
      %cond3A_402 = arith.cmpi ne, %convert_element_type3A_400, %cond3A_401 : i32
      scf.if %cond3A_402 {
        %add3A_482 = arith.constant 5 : i32
        %add3A_483 = arith.addi %add3A_327, %add3A_482 : i32
        %mul3A_484 = arith.constant 80 : i32
        %mul3A_485 = arith.muli %add3A_483, %mul3A_484 : i32
        %multiple_of3A_486 = tpu.assume_multiple %mul3A_485, 8 : i32
        %dma_start3A_487 = arith.constant 3 : i32
        %dma_start3A_488 = arith.constant 0 : i32
        %dma_start3A_489 = arith.constant 0 : i32
        %dma_start3A_490 = tpu.memref_slice %arg10[%dma_start3A_487, %dma_start3A_488, %dma_start3A_489] : memref<5x80x64xf32, #tpu.memory_space<vmem>> -> memref<1x80x64xf32, #tpu.memory_space<vmem>>
        %dma_start3A_491 = tpu.memref_squeeze %dma_start3A_490 : memref<1x80x64xf32, #tpu.memory_space<vmem>> -> memref<80x64xf32, #tpu.memory_space<vmem>>
        %dma_start3A_492 = tpu.memref_slice %arg8[%multiple_of3A_486] : memref<10000xi32, #tpu.memory_space<vmem>> -> memref<80xi32, #tpu.memory_space<vmem>>
        %dma_start3A_493 = arith.constant 0 : i32
        %dma_start3A_494 = arith.constant 0 : i32
        %dma_start3A_495 = tpu.memref_slice %arg2[%dma_start3A_493, %dma_start3A_494] : memref<10000x64xf32, #tpu.memory_space<hbm>> -> memref<10000x64xf32, #tpu.memory_space<hbm>>
        tpu.enqueue_indirect_dma source(%dma_start3A_495 : memref<10000x64xf32, #tpu.memory_space<hbm>>) target(%dma_start3A_491 : memref<80x64xf32, #tpu.memory_space<vmem>>) offsets(%dma_start3A_492 : memref<80xi32, #tpu.memory_space<vmem>>) semaphore(%arg16 : memref<!tpu.dma_semaphore, #tpu.memory_space<semaphore_mem>>)
      } else {
      }
      %mul3A_403 = arith.constant 5 : i32
      %mul3A_404 = arith.muli %scan3A_91, %mul3A_403 : i32
      %add3A_405 = arith.constant 4 : i32
      %add3A_406 = arith.addi %mul3A_404, %add3A_405 : i32
      %mul3A_407 = arith.constant 80 : i32
      %mul3A_408 = arith.muli %add3A_406, %mul3A_407 : i32
      %multiple_of3A_409 = tpu.assume_multiple %mul3A_408, 8 : i32
      %dma_wait3A_410 = arith.constant 4 : i32
      %dma_wait3A_411 = arith.constant 0 : i32
      %dma_wait3A_412 = arith.constant 0 : i32
      %dma_wait3A_413 = tpu.memref_slice %arg10[%dma_wait3A_410, %dma_wait3A_411, %dma_wait3A_412] : memref<5x80x64xf32, #tpu.memory_space<vmem>> -> memref<1x80x64xf32, #tpu.memory_space<vmem>>
      %dma_wait3A_414 = tpu.memref_squeeze %dma_wait3A_413 : memref<1x80x64xf32, #tpu.memory_space<vmem>> -> memref<80x64xf32, #tpu.memory_space<vmem>>
      %dma_wait3A_415 = tpu.memref_slice %arg8[%multiple_of3A_409] : memref<10000xi32, #tpu.memory_space<vmem>> -> memref<80xi32, #tpu.memory_space<vmem>>
      %dma_wait3A_416 = arith.constant 0 : i32
      %dma_wait3A_417 = arith.constant 0 : i32
      %dma_wait3A_418 = tpu.memref_slice %arg2[%dma_wait3A_416, %dma_wait3A_417] : memref<10000x64xf32, #tpu.memory_space<hbm>> -> memref<10000x64xf32, #tpu.memory_space<hbm>>
      tpu.wait_indirect_dma semaphore(%arg16 : memref<!tpu.dma_semaphore, #tpu.memory_space<semaphore_mem>>) src(%dma_wait3A_418 : memref<10000x64xf32, #tpu.memory_space<hbm>>) dst(%dma_wait3A_414 : memref<80x64xf32, #tpu.memory_space<vmem>>)
      %mul3A_419 = arith.constant 80 : i32
      %mul3A_420 = arith.muli %add3A_406, %mul3A_419 : i32
      %multiple_of3A_421 = tpu.assume_multiple %mul3A_420, 8 : i32
      %dma_start3A_422 = arith.constant 4 : i32
      %dma_start3A_423 = arith.constant 0 : i32
      %dma_start3A_424 = arith.constant 0 : i32
      %dma_start3A_425 = tpu.memref_slice %arg10[%dma_start3A_422, %dma_start3A_423, %dma_start3A_424] : memref<5x80x64xf32, #tpu.memory_space<vmem>> -> memref<1x80x64xf32, #tpu.memory_space<vmem>>
      %dma_start3A_426 = tpu.memref_squeeze %dma_start3A_425 : memref<1x80x64xf32, #tpu.memory_space<vmem>> -> memref<80x64xf32, #tpu.memory_space<vmem>>
      %dma_start3A_427 = tpu.memref_slice %arg9[%multiple_of3A_421] : memref<10000xi32, #tpu.memory_space<vmem>> -> memref<80xi32, #tpu.memory_space<vmem>>
      %dma_start3A_428 = arith.constant 0 : i32
      %dma_start3A_429 = arith.constant 0 : i32
      %dma_start3A_430 = tpu.memref_slice %arg14[%dma_start3A_428, %dma_start3A_429] : memref<10000x64xf32, #tpu.memory_space<vmem_shared>> -> memref<10000x64xf32, #tpu.memory_space<vmem_shared>>
      tpu.enqueue_indirect_dma source(%dma_start3A_426 : memref<80x64xf32, #tpu.memory_space<vmem>>) target(%dma_start3A_430 : memref<10000x64xf32, #tpu.memory_space<vmem_shared>>) offsets(%dma_start3A_427 : memref<80xi32, #tpu.memory_space<vmem>>) semaphore(%arg17 : memref<!tpu.dma_semaphore, #tpu.memory_space<semaphore_mem>>) {add = true}
      %mul3A_431 = arith.constant 80 : i32
      %mul3A_432 = arith.muli %add3A_406, %mul3A_431 : i32
      %add3A_433 = arith.constant 0 : i32
      %add3A_434 = arith.addi %mul3A_432, %add3A_433 : i32
      %multiple_of3A_435 = tpu.assume_multiple %add3A_434, 16 : i32
      %get3A_436 = arith.index_cast %multiple_of3A_435 : i32 to index
      %get3A_437 = tpu.vector_load %arg9[%get3A_436] {strides = array<i32>} : memref<10000xi32, #tpu.memory_space<vmem>>, vector<16xi32>,
      tpu.vector_store_idx %arg11[%get3A_437], %broadcast_in_dim3A_16 {add = true} : memref<10240xf32, #tpu.memory_space<vmem>>[vector<16xi32>], vector<16xf32>,
      %mul3A_438 = arith.constant 80 : i32
      %mul3A_439 = arith.muli %add3A_406, %mul3A_438 : i32
      %add3A_440 = arith.constant 16 : i32
      %add3A_441 = arith.addi %mul3A_439, %add3A_440 : i32
      %multiple_of3A_442 = tpu.assume_multiple %add3A_441, 16 : i32
      %get3A_443 = arith.index_cast %multiple_of3A_442 : i32 to index
      %get3A_444 = tpu.vector_load %arg9[%get3A_443] {strides = array<i32>} : memref<10000xi32, #tpu.memory_space<vmem>>, vector<16xi32>,
      tpu.vector_store_idx %arg11[%get3A_444], %broadcast_in_dim3A_16 {add = true} : memref<10240xf32, #tpu.memory_space<vmem>>[vector<16xi32>], vector<16xf32>,
      %mul3A_445 = arith.constant 80 : i32
      %mul3A_446 = arith.muli %add3A_406, %mul3A_445 : i32
      %add3A_447 = arith.constant 32 : i32
      %add3A_448 = arith.addi %mul3A_446, %add3A_447 : i32
      %multiple_of3A_449 = tpu.assume_multiple %add3A_448, 16 : i32
      %get3A_450 = arith.index_cast %multiple_of3A_449 : i32 to index
      %get3A_451 = tpu.vector_load %arg9[%get3A_450] {strides = array<i32>} : memref<10000xi32, #tpu.memory_space<vmem>>, vector<16xi32>,
      tpu.vector_store_idx %arg11[%get3A_451], %broadcast_in_dim3A_16 {add = true} : memref<10240xf32, #tpu.memory_space<vmem>>[vector<16xi32>], vector<16xf32>,
      %mul3A_452 = arith.constant 80 : i32
      %mul3A_453 = arith.muli %add3A_406, %mul3A_452 : i32
      %add3A_454 = arith.constant 48 : i32
      %add3A_455 = arith.addi %mul3A_453, %add3A_454 : i32
      %multiple_of3A_456 = tpu.assume_multiple %add3A_455, 16 : i32
      %get3A_457 = arith.index_cast %multiple_of3A_456 : i32 to index
      %get3A_458 = tpu.vector_load %arg9[%get3A_457] {strides = array<i32>} : memref<10000xi32, #tpu.memory_space<vmem>>, vector<16xi32>,
      tpu.vector_store_idx %arg11[%get3A_458], %broadcast_in_dim3A_16 {add = true} : memref<10240xf32, #tpu.memory_space<vmem>>[vector<16xi32>], vector<16xf32>,
      %mul3A_459 = arith.constant 80 : i32
      %mul3A_460 = arith.muli %add3A_406, %mul3A_459 : i32
      %add3A_461 = arith.constant 64 : i32
      %add3A_462 = arith.addi %mul3A_460, %add3A_461 : i32
      %multiple_of3A_463 = tpu.assume_multiple %add3A_462, 16 : i32
      %get3A_464 = arith.index_cast %multiple_of3A_463 : i32 to index
      %get3A_465 = tpu.vector_load %arg9[%get3A_464] {strides = array<i32>} : memref<10000xi32, #tpu.memory_space<vmem>>, vector<16xi32>,
      tpu.vector_store_idx %arg11[%get3A_465], %broadcast_in_dim3A_16 {add = true} : memref<10240xf32, #tpu.memory_space<vmem>>[vector<16xi32>], vector<16xf32>,
      %dma_wait3A_466 = arith.constant 4 : i32
      %dma_wait3A_467 = arith.constant 0 : i32
      %dma_wait3A_468 = arith.constant 0 : i32
      %dma_wait3A_469 = tpu.memref_slice %arg10[%dma_wait3A_466, %dma_wait3A_467, %dma_wait3A_468] : memref<5x80x64xf32, #tpu.memory_space<vmem>> -> memref<1x80x64xf32, #tpu.memory_space<vmem>>
      %dma_wait3A_470 = tpu.memref_squeeze %dma_wait3A_469 : memref<1x80x64xf32, #tpu.memory_space<vmem>> -> memref<80x64xf32, #tpu.memory_space<vmem>>
      %dma_wait3A_471 = tpu.memref_slice %arg9[%multiple_of3A_421] : memref<10000xi32, #tpu.memory_space<vmem>> -> memref<80xi32, #tpu.memory_space<vmem>>
      %dma_wait3A_472 = arith.constant 0 : i32
      %dma_wait3A_473 = arith.constant 0 : i32
      %dma_wait3A_474 = tpu.memref_slice %arg14[%dma_wait3A_472, %dma_wait3A_473] : memref<10000x64xf32, #tpu.memory_space<vmem_shared>> -> memref<10000x64xf32, #tpu.memory_space<vmem_shared>>
      tpu.wait_indirect_dma semaphore(%arg17 : memref<!tpu.dma_semaphore, #tpu.memory_space<semaphore_mem>>) src(%dma_wait3A_470 : memref<80x64xf32, #tpu.memory_space<vmem>>) dst(%dma_wait3A_474 : memref<10000x64xf32, #tpu.memory_space<vmem_shared>>)
      %add3A_475 = arith.constant 5 : i32
      %add3A_476 = arith.addi %add3A_406, %add3A_475 : i32
      %lt3A_477 = arith.constant 125 : i32
      %lt3A_478 = arith.cmpi slt, %add3A_476, %lt3A_477 : i32
      %convert_element_type3A_479 = arith.extui %lt3A_478 : i1 to i32
      %cond3A_480 = arith.constant 0 : i32
      %cond3A_481 = arith.cmpi ne, %convert_element_type3A_479, %cond3A_480 : i32
      scf.if %cond3A_481 {
        %add3A_482 = arith.constant 5 : i32
        %add3A_483 = arith.addi %add3A_406, %add3A_482 : i32
        %mul3A_484 = arith.constant 80 : i32
        %mul3A_485 = arith.muli %add3A_483, %mul3A_484 : i32
        %multiple_of3A_486 = tpu.assume_multiple %mul3A_485, 8 : i32
        %dma_start3A_487 = arith.constant 4 : i32
        %dma_start3A_488 = arith.constant 0 : i32
        %dma_start3A_489 = arith.constant 0 : i32
        %dma_start3A_490 = tpu.memref_slice %arg10[%dma_start3A_487, %dma_start3A_488, %dma_start3A_489] : memref<5x80x64xf32, #tpu.memory_space<vmem>> -> memref<1x80x64xf32, #tpu.memory_space<vmem>>
        %dma_start3A_491 = tpu.memref_squeeze %dma_start3A_490 : memref<1x80x64xf32, #tpu.memory_space<vmem>> -> memref<80x64xf32, #tpu.memory_space<vmem>>
        %dma_start3A_492 = tpu.memref_slice %arg8[%multiple_of3A_486] : memref<10000xi32, #tpu.memory_space<vmem>> -> memref<80xi32, #tpu.memory_space<vmem>>
        %dma_start3A_493 = arith.constant 0 : i32
        %dma_start3A_494 = arith.constant 0 : i32
        %dma_start3A_495 = tpu.memref_slice %arg2[%dma_start3A_493, %dma_start3A_494] : memref<10000x64xf32, #tpu.memory_space<hbm>> -> memref<10000x64xf32, #tpu.memory_space<hbm>>
        tpu.enqueue_indirect_dma source(%dma_start3A_495 : memref<10000x64xf32, #tpu.memory_space<hbm>>) target(%dma_start3A_491 : memref<80x64xf32, #tpu.memory_space<vmem>>) offsets(%dma_start3A_492 : memref<80xi32, #tpu.memory_space<vmem>>) semaphore(%arg16 : memref<!tpu.dma_semaphore, #tpu.memory_space<semaphore_mem>>)
      } else {
      }
    }
    %scan3A_75 = arith.constant 25 : i32
    "tpu.region"() ({
      %run_scoped3A = tpu.sem_alloc : memref<!tpu.dma_semaphore, #tpu.memory_space<semaphore_mem>>
      %dma_start3A_91 = arith.constant 0 : i32
      %dma_start3A_92 = tpu.memref_slice %arg15[%arg1, %dma_start3A_91] : memref<16x10240xf32, #tpu.memory_space<vmem_shared>> -> memref<1x10240xf32, #tpu.memory_space<vmem_shared>>
      %dma_start3A_93 = tpu.memref_squeeze %dma_start3A_92 : memref<1x10240xf32, #tpu.memory_space<vmem_shared>> -> memref<10240xf32, #tpu.memory_space<vmem_shared>>
      %dma_start3A_94 = arith.constant 0 : i32
      %dma_start3A_95 = tpu.memref_slice %arg15[%arg1, %dma_start3A_94] : memref<16x10240xf32, #tpu.memory_space<vmem_shared>> -> memref<1x10240xf32, #tpu.memory_space<vmem_shared>>
      %dma_start3A_96 = tpu.memref_squeeze %dma_start3A_95 : memref<1x10240xf32, #tpu.memory_space<vmem_shared>> -> memref<10240xf32, #tpu.memory_space<vmem_shared>>
      tpu.enqueue_dma source(%arg11 : memref<10240xf32, #tpu.memory_space<vmem>>) target(%dma_start3A_96 : memref<10240xf32, #tpu.memory_space<vmem_shared>>) target_semaphore(%run_scoped3A : memref<!tpu.dma_semaphore, #tpu.memory_space<semaphore_mem>>)
      %dma_wait3A = arith.constant 0 : i32
      %dma_wait3A_97 = tpu.memref_slice %arg15[%arg1, %dma_wait3A] : memref<16x10240xf32, #tpu.memory_space<vmem_shared>> -> memref<1x10240xf32, #tpu.memory_space<vmem_shared>>
      %dma_wait3A_98 = tpu.memref_squeeze %dma_wait3A_97 : memref<1x10240xf32, #tpu.memory_space<vmem_shared>> -> memref<10240xf32, #tpu.memory_space<vmem_shared>>
      %dma_wait3A_99 = arith.constant 0 : i32
      %dma_wait3A_100 = tpu.memref_slice %arg15[%arg1, %dma_wait3A_99] : memref<16x10240xf32, #tpu.memory_space<vmem_shared>> -> memref<1x10240xf32, #tpu.memory_space<vmem_shared>>
      %dma_wait3A_101 = tpu.memref_squeeze %dma_wait3A_100 : memref<1x10240xf32, #tpu.memory_space<vmem_shared>> -> memref<10240xf32, #tpu.memory_space<vmem_shared>>
      tpu.wait_dma2 semaphore(%run_scoped3A : memref<!tpu.dma_semaphore, #tpu.memory_space<semaphore_mem>>) src(%arg11 : memref<10240xf32, #tpu.memory_space<vmem>>) dst(%dma_wait3A_101 : memref<10240xf32, #tpu.memory_space<vmem_shared>>)
      tpu.yield
    }) : () -> ()
    %barrier3A_76 = arith.constant 0 : index
    tpu.barrier barrier_id(%barrier3A_76)
    %mul3A_77 = arith.constant 625 : i32
    %mul3A_78 = arith.muli %arg1, %mul3A_77 : i32
    %mul3A_79 = arith.constant 625 : i32
    %mul3A_80 = arith.muli %arg1, %mul3A_79 : i32
    "tpu.region"() ({
      %run_scoped3A = tpu.sem_alloc : memref<!tpu.dma_semaphore, #tpu.memory_space<semaphore_mem>>
      %dma_start3A_91 = arith.constant 0 : i32
      %dma_start3A_92 = tpu.memref_slice %arg6[%arg0, %mul3A_80, %dma_start3A_91] : memref<2x10000x64xf32, #tpu.memory_space<hbm>> -> memref<1x625x64xf32, #tpu.memory_space<hbm>>
      %dma_start3A_93 = tpu.memref_squeeze %dma_start3A_92 : memref<1x625x64xf32, #tpu.memory_space<hbm>> -> memref<625x64xf32, #tpu.memory_space<hbm>>
      %dma_start3A_94 = arith.constant 0 : i32
      %dma_start3A_95 = tpu.memref_slice %arg14[%mul3A_78, %dma_start3A_94] : memref<10000x64xf32, #tpu.memory_space<vmem_shared>> -> memref<625x64xf32, #tpu.memory_space<vmem_shared>>
      tpu.enqueue_dma source(%dma_start3A_95 : memref<625x64xf32, #tpu.memory_space<vmem_shared>>) target(%dma_start3A_93 : memref<625x64xf32, #tpu.memory_space<hbm>>) target_semaphore(%run_scoped3A : memref<!tpu.dma_semaphore, #tpu.memory_space<semaphore_mem>>)
      %dma_wait3A = arith.constant 0 : i32
      %dma_wait3A_96 = tpu.memref_slice %arg6[%arg0, %mul3A_80, %dma_wait3A] : memref<2x10000x64xf32, #tpu.memory_space<hbm>> -> memref<1x625x64xf32, #tpu.memory_space<hbm>>
      %dma_wait3A_97 = tpu.memref_squeeze %dma_wait3A_96 : memref<1x625x64xf32, #tpu.memory_space<hbm>> -> memref<625x64xf32, #tpu.memory_space<hbm>>
      %dma_wait3A_98 = arith.constant 0 : i32
      %dma_wait3A_99 = tpu.memref_slice %arg14[%mul3A_78, %dma_wait3A_98] : memref<10000x64xf32, #tpu.memory_space<vmem_shared>> -> memref<625x64xf32, #tpu.memory_space<vmem_shared>>
      tpu.wait_dma2 semaphore(%run_scoped3A : memref<!tpu.dma_semaphore, #tpu.memory_space<semaphore_mem>>) src(%dma_wait3A_99 : memref<625x64xf32, #tpu.memory_space<vmem_shared>>) dst(%dma_wait3A_97 : memref<625x64xf32, #tpu.memory_space<hbm>>)
      tpu.yield
    }) : () -> ()
    %mul3A_81 = arith.constant 640 : i32
    %mul3A_82 = arith.muli %arg1, %mul3A_81 : i32
    "tpu.region"() ({
      %run_scoped3A = tpu.sem_alloc : memref<!tpu.dma_semaphore, #tpu.memory_space<semaphore_mem>>
      %dma_start3A_91 = arith.constant 0 : i32
      %dma_start3A_92 = tpu.memref_slice %arg15[%dma_start3A_91, %mul3A_82] : memref<16x10240xf32, #tpu.memory_space<vmem_shared>> -> memref<16x640xf32, #tpu.memory_space<vmem_shared>>
      %dma_start3A_93 = arith.constant 0 : i32
      %dma_start3A_94 = tpu.memref_slice %arg15[%dma_start3A_93, %mul3A_82] : memref<16x10240xf32, #tpu.memory_space<vmem_shared>> -> memref<16x640xf32, #tpu.memory_space<vmem_shared>>
      tpu.enqueue_dma source(%dma_start3A_94 : memref<16x640xf32, #tpu.memory_space<vmem_shared>>) target(%arg12 : memref<16x640xf32, #tpu.memory_space<vmem>>) target_semaphore(%run_scoped3A : memref<!tpu.dma_semaphore, #tpu.memory_space<semaphore_mem>>)
      %dma_wait3A = arith.constant 0 : i32
      %dma_wait3A_95 = tpu.memref_slice %arg15[%dma_wait3A, %mul3A_82] : memref<16x10240xf32, #tpu.memory_space<vmem_shared>> -> memref<16x640xf32, #tpu.memory_space<vmem_shared>>
      %dma_wait3A_96 = arith.constant 0 : i32
      %dma_wait3A_97 = tpu.memref_slice %arg15[%dma_wait3A_96, %mul3A_82] : memref<16x10240xf32, #tpu.memory_space<vmem_shared>> -> memref<16x640xf32, #tpu.memory_space<vmem_shared>>
      tpu.wait_dma2 semaphore(%run_scoped3A : memref<!tpu.dma_semaphore, #tpu.memory_space<semaphore_mem>>) src(%dma_wait3A_97 : memref<16x640xf32, #tpu.memory_space<vmem_shared>>) dst(%arg12 : memref<16x640xf32, #tpu.memory_space<vmem>>)
      tpu.yield
    }) : () -> ()
    %scan3A_83 = arith.constant 0 : i32
    %scan3A_84 = arith.constant 0 : i32
    %scan3A_85 = arith.constant 40 : i32
    %scan3A_86 = arith.addi %scan3A_84, %scan3A_85 : i32
    %scan3A_87 = arith.constant 1 : i32
    scf.for %scan3A_91 = %scan3A_84 to %scan3A_86 step %scan3A_87  : i32 {
      %mul3A_92 = arith.constant 16 : i32
      %mul3A_93 = arith.muli %scan3A_91, %mul3A_92 : i32
      %multiple_of3A_94 = tpu.assume_multiple %mul3A_93, 16 : i32
      %get3A = arith.constant 0 : i32
      %get3A_95 = arith.index_cast %get3A : i32 to index
      %get3A_96 = arith.index_cast %multiple_of3A_94 : i32 to index
      %get3A_97 = tpu.vector_load %arg12[%get3A_95, %get3A_96] {strides = array<i32>} : memref<16x640xf32, #tpu.memory_space<vmem>>, vector<16xf32>,
      %get3A_98 = arith.constant 1 : i32
      %get3A_99 = arith.index_cast %get3A_98 : i32 to index
      %get3A_100 = arith.index_cast %multiple_of3A_94 : i32 to index
      %get3A_101 = tpu.vector_load %arg12[%get3A_99, %get3A_100] {strides = array<i32>} : memref<16x640xf32, #tpu.memory_space<vmem>>, vector<16xf32>,
      %add3A_102 = arith.addf %get3A_97, %get3A_101 : vector<16xf32>
      %get3A_103 = arith.constant 2 : i32
      %get3A_104 = arith.index_cast %get3A_103 : i32 to index
      %get3A_105 = arith.index_cast %multiple_of3A_94 : i32 to index
      %get3A_106 = tpu.vector_load %arg12[%get3A_104, %get3A_105] {strides = array<i32>} : memref<16x640xf32, #tpu.memory_space<vmem>>, vector<16xf32>,
      %add3A_107 = arith.addf %add3A_102, %get3A_106 : vector<16xf32>
      %get3A_108 = arith.constant 3 : i32
      %get3A_109 = arith.index_cast %get3A_108 : i32 to index
      %get3A_110 = arith.index_cast %multiple_of3A_94 : i32 to index
      %get3A_111 = tpu.vector_load %arg12[%get3A_109, %get3A_110] {strides = array<i32>} : memref<16x640xf32, #tpu.memory_space<vmem>>, vector<16xf32>,
      %add3A_112 = arith.addf %add3A_107, %get3A_111 : vector<16xf32>
      %get3A_113 = arith.constant 4 : i32
      %get3A_114 = arith.index_cast %get3A_113 : i32 to index
      %get3A_115 = arith.index_cast %multiple_of3A_94 : i32 to index
      %get3A_116 = tpu.vector_load %arg12[%get3A_114, %get3A_115] {strides = array<i32>} : memref<16x640xf32, #tpu.memory_space<vmem>>, vector<16xf32>,
      %add3A_117 = arith.addf %add3A_112, %get3A_116 : vector<16xf32>
      %get3A_118 = arith.constant 5 : i32
      %get3A_119 = arith.index_cast %get3A_118 : i32 to index
      %get3A_120 = arith.index_cast %multiple_of3A_94 : i32 to index
      %get3A_121 = tpu.vector_load %arg12[%get3A_119, %get3A_120] {strides = array<i32>} : memref<16x640xf32, #tpu.memory_space<vmem>>, vector<16xf32>,
      %add3A_122 = arith.addf %add3A_117, %get3A_121 : vector<16xf32>
      %get3A_123 = arith.constant 6 : i32
      %get3A_124 = arith.index_cast %get3A_123 : i32 to index
      %get3A_125 = arith.index_cast %multiple_of3A_94 : i32 to index
      %get3A_126 = tpu.vector_load %arg12[%get3A_124, %get3A_125] {strides = array<i32>} : memref<16x640xf32, #tpu.memory_space<vmem>>, vector<16xf32>,
      %add3A_127 = arith.addf %add3A_122, %get3A_126 : vector<16xf32>
      %get3A_128 = arith.constant 7 : i32
      %get3A_129 = arith.index_cast %get3A_128 : i32 to index
      %get3A_130 = arith.index_cast %multiple_of3A_94 : i32 to index
      %get3A_131 = tpu.vector_load %arg12[%get3A_129, %get3A_130] {strides = array<i32>} : memref<16x640xf32, #tpu.memory_space<vmem>>, vector<16xf32>,
      %add3A_132 = arith.addf %add3A_127, %get3A_131 : vector<16xf32>
      %get3A_133 = arith.constant 8 : i32
      %get3A_134 = arith.index_cast %get3A_133 : i32 to index
      %get3A_135 = arith.index_cast %multiple_of3A_94 : i32 to index
      %get3A_136 = tpu.vector_load %arg12[%get3A_134, %get3A_135] {strides = array<i32>} : memref<16x640xf32, #tpu.memory_space<vmem>>, vector<16xf32>,
      %add3A_137 = arith.addf %add3A_132, %get3A_136 : vector<16xf32>
      %get3A_138 = arith.constant 9 : i32
      %get3A_139 = arith.index_cast %get3A_138 : i32 to index
      %get3A_140 = arith.index_cast %multiple_of3A_94 : i32 to index
      %get3A_141 = tpu.vector_load %arg12[%get3A_139, %get3A_140] {strides = array<i32>} : memref<16x640xf32, #tpu.memory_space<vmem>>, vector<16xf32>,
      %add3A_142 = arith.addf %add3A_137, %get3A_141 : vector<16xf32>
      %get3A_143 = arith.constant 10 : i32
      %get3A_144 = arith.index_cast %get3A_143 : i32 to index
      %get3A_145 = arith.index_cast %multiple_of3A_94 : i32 to index
      %get3A_146 = tpu.vector_load %arg12[%get3A_144, %get3A_145] {strides = array<i32>} : memref<16x640xf32, #tpu.memory_space<vmem>>, vector<16xf32>,
      %add3A_147 = arith.addf %add3A_142, %get3A_146 : vector<16xf32>
      %get3A_148 = arith.constant 11 : i32
      %get3A_149 = arith.index_cast %get3A_148 : i32 to index
      %get3A_150 = arith.index_cast %multiple_of3A_94 : i32 to index
      %get3A_151 = tpu.vector_load %arg12[%get3A_149, %get3A_150] {strides = array<i32>} : memref<16x640xf32, #tpu.memory_space<vmem>>, vector<16xf32>,
      %add3A_152 = arith.addf %add3A_147, %get3A_151 : vector<16xf32>
      %get3A_153 = arith.constant 12 : i32
      %get3A_154 = arith.index_cast %get3A_153 : i32 to index
      %get3A_155 = arith.index_cast %multiple_of3A_94 : i32 to index
      %get3A_156 = tpu.vector_load %arg12[%get3A_154, %get3A_155] {strides = array<i32>} : memref<16x640xf32, #tpu.memory_space<vmem>>, vector<16xf32>,
      %add3A_157 = arith.addf %add3A_152, %get3A_156 : vector<16xf32>
      %get3A_158 = arith.constant 13 : i32
      %get3A_159 = arith.index_cast %get3A_158 : i32 to index
      %get3A_160 = arith.index_cast %multiple_of3A_94 : i32 to index
      %get3A_161 = tpu.vector_load %arg12[%get3A_159, %get3A_160] {strides = array<i32>} : memref<16x640xf32, #tpu.memory_space<vmem>>, vector<16xf32>,
      %add3A_162 = arith.addf %add3A_157, %get3A_161 : vector<16xf32>
      %get3A_163 = arith.constant 14 : i32
      %get3A_164 = arith.index_cast %get3A_163 : i32 to index
      %get3A_165 = arith.index_cast %multiple_of3A_94 : i32 to index
      %get3A_166 = tpu.vector_load %arg12[%get3A_164, %get3A_165] {strides = array<i32>} : memref<16x640xf32, #tpu.memory_space<vmem>>, vector<16xf32>,
      %add3A_167 = arith.addf %add3A_162, %get3A_166 : vector<16xf32>
      %get3A_168 = arith.constant 15 : i32
      %get3A_169 = arith.index_cast %get3A_168 : i32 to index
      %get3A_170 = arith.index_cast %multiple_of3A_94 : i32 to index
      %get3A_171 = tpu.vector_load %arg12[%get3A_169, %get3A_170] {strides = array<i32>} : memref<16x640xf32, #tpu.memory_space<vmem>>, vector<16xf32>,
      %add3A_172 = arith.addf %add3A_167, %get3A_171 : vector<16xf32>
      %swap3A = arith.index_cast %multiple_of3A_94 : i32 to index
      %swap3A_173 = tpu.vector_load %arg13[%swap3A] {strides = array<i32>} : memref<640xf32, #tpu.memory_space<vmem>>, vector<16xf32>,
      tpu.vector_store %arg13[%swap3A], %add3A_172 {strides = array<i32>} : memref<640xf32, #tpu.memory_space<vmem>>, vector<16xf32>,
    }
    %scan3A_88 = arith.constant 40 : i32
    %mul3A_89 = arith.constant 640 : i32
    %mul3A_90 = arith.muli %arg1, %mul3A_89 : i32
    "tpu.region"() ({
      %run_scoped3A = tpu.sem_alloc : memref<!tpu.dma_semaphore, #tpu.memory_space<semaphore_mem>>
      %dma_start3A_91 = tpu.memref_slice %arg7[%arg0, %mul3A_90] : memref<2x10240xf32, #tpu.memory_space<hbm>> -> memref<1x640xf32, #tpu.memory_space<hbm>>
      %dma_start3A_92 = tpu.memref_squeeze %dma_start3A_91 : memref<1x640xf32, #tpu.memory_space<hbm>> -> memref<640xf32, #tpu.memory_space<hbm>>
      %dma_start3A_93 = tpu.memref_slice %arg7[%arg0, %mul3A_90] : memref<2x10240xf32, #tpu.memory_space<hbm>> -> memref<1x640xf32, #tpu.memory_space<hbm>>
      %dma_start3A_94 = tpu.memref_squeeze %dma_start3A_93 : memref<1x640xf32, #tpu.memory_space<hbm>> -> memref<640xf32, #tpu.memory_space<hbm>>
      tpu.enqueue_dma source(%arg13 : memref<640xf32, #tpu.memory_space<vmem>>) target(%dma_start3A_94 : memref<640xf32, #tpu.memory_space<hbm>>) target_semaphore(%run_scoped3A : memref<!tpu.dma_semaphore, #tpu.memory_space<semaphore_mem>>)
      %dma_wait3A = tpu.memref_slice %arg7[%arg0, %mul3A_90] : memref<2x10240xf32, #tpu.memory_space<hbm>> -> memref<1x640xf32, #tpu.memory_space<hbm>>
      %dma_wait3A_95 = tpu.memref_squeeze %dma_wait3A : memref<1x640xf32, #tpu.memory_space<hbm>> -> memref<640xf32, #tpu.memory_space<hbm>>
      %dma_wait3A_96 = tpu.memref_slice %arg7[%arg0, %mul3A_90] : memref<2x10240xf32, #tpu.memory_space<hbm>> -> memref<1x640xf32, #tpu.memory_space<hbm>>
      %dma_wait3A_97 = tpu.memref_squeeze %dma_wait3A_96 : memref<1x640xf32, #tpu.memory_space<hbm>> -> memref<640xf32, #tpu.memory_space<hbm>>
      tpu.wait_dma2 semaphore(%run_scoped3A : memref<!tpu.dma_semaphore, #tpu.memory_space<semaphore_mem>>) src(%arg13 : memref<640xf32, #tpu.memory_space<vmem>>) dst(%dma_wait3A_97 : memref<640xf32, #tpu.memory_space<hbm>>)
      tpu.yield
    }) : () -> ()
    return
  }
}

#map = affine_map<(d0, d1) -> (0)>
module attributes {stable_mosaic.version = 14 : i64} {
  func.func @_sc_l2(%arg0: i32, %arg1: i32, %arg2: memref<10240xf32, #tpu.memory_space<hbm>>, %arg3: memref<10240xf32, #tpu.memory_space<hbm>>, %arg4: memref<320000xi32, #tpu.memory_space<hbm>>, %arg5: memref<320000xi32, #tpu.memory_space<hbm>>, %arg6: memref<10240xf32, #tpu.memory_space<hbm>>, %arg7: memref<10240xf32, #tpu.memory_space<hbm>>, %arg8: memref<10240xf32, #tpu.memory_space<hbm>>, %arg9: memref<10240xf32, #tpu.memory_space<hbm>>, %arg10: memref<10240xf32, #tpu.memory_space<hbm>>, %arg11: memref<20000xi32, #tpu.memory_space<vmem>>, %arg12: memref<20000xi32, #tpu.memory_space<vmem>>, %arg13: memref<10240xf32, #tpu.memory_space<vmem>>, %arg14: memref<10240xf32, #tpu.memory_space<vmem>>, %arg15: memref<5120xf32, #tpu.memory_space<vmem>>, %arg16: memref<5120xf32, #tpu.memory_space<vmem>>, %arg17: memref<16x320xf32, #tpu.memory_space<vmem>>, %arg18: memref<16x320xf32, #tpu.memory_space<vmem>>, %arg19: memref<320xf32, #tpu.memory_space<vmem>>, %arg20: memref<320xf32, #tpu.memory_space<vmem>>, %arg21: memref<320xf32, #tpu.memory_space<vmem>>, %arg22: memref<320xf32, #tpu.memory_space<vmem>>, %arg23: memref<320xf32, #tpu.memory_space<vmem>>, %arg24: memref<16x2x5120xf32, #tpu.memory_space<vmem_shared>>) attributes {dimension_semantics = [#tpu.dimension_semantics<core_parallel>, #tpu.dimension_semantics<subcore_parallel>], iteration_bounds = array<i64: 2, 16>, scalar_prefetch = 0 : i64, scratch_operands = 14 : i64, tpu.core_type = #tpu.core_type<sc_vector_subcore>, window_params = [{transform_indices = #map}, {transform_indices = #map}, {transform_indices = #map}, {transform_indices = #map}, {transform_indices = #map}, {transform_indices = #map}, {transform_indices = #map}, {transform_indices = #map}, {transform_indices = #map}]} {
    %mul3A = arith.constant 5120 : i32
    %mul3A_0 = arith.muli %arg0, %mul3A : i32
    %mul3A_1 = arith.constant 5120 : i32
    %mul3A_2 = arith.muli %arg0, %mul3A_1 : i32
    %mul3A_3 = arith.constant 320 : i32
    %mul3A_4 = arith.muli %arg1, %mul3A_3 : i32
    %add3A = arith.addi %mul3A_2, %mul3A_4 : i32
    %mul3A_5 = arith.constant 20000 : i32
    %mul3A_6 = arith.muli %arg1, %mul3A_5 : i32
    "tpu.region"() ({
      %run_scoped3A_34 = tpu.sem_alloc : memref<!tpu.dma_semaphore, #tpu.memory_space<semaphore_mem>>
      %dma_start3A = tpu.memref_slice %arg4[%mul3A_6] : memref<320000xi32, #tpu.memory_space<hbm>> -> memref<20000xi32, #tpu.memory_space<hbm>>
      %dma_start3A_35 = tpu.memref_slice %arg4[%mul3A_6] : memref<320000xi32, #tpu.memory_space<hbm>> -> memref<20000xi32, #tpu.memory_space<hbm>>
      tpu.enqueue_dma source(%dma_start3A_35 : memref<20000xi32, #tpu.memory_space<hbm>>) target(%arg11 : memref<20000xi32, #tpu.memory_space<vmem>>) target_semaphore(%run_scoped3A_34 : memref<!tpu.dma_semaphore, #tpu.memory_space<semaphore_mem>>)
      %dma_wait3A = tpu.memref_slice %arg4[%mul3A_6] : memref<320000xi32, #tpu.memory_space<hbm>> -> memref<20000xi32, #tpu.memory_space<hbm>>
      %dma_wait3A_36 = tpu.memref_slice %arg4[%mul3A_6] : memref<320000xi32, #tpu.memory_space<hbm>> -> memref<20000xi32, #tpu.memory_space<hbm>>
      tpu.wait_dma2 semaphore(%run_scoped3A_34 : memref<!tpu.dma_semaphore, #tpu.memory_space<semaphore_mem>>) src(%dma_wait3A_36 : memref<20000xi32, #tpu.memory_space<hbm>>) dst(%arg11 : memref<20000xi32, #tpu.memory_space<vmem>>)
      tpu.yield
    }) : () -> ()
    %mul3A_7 = arith.constant 20000 : i32
    %mul3A_8 = arith.muli %arg1, %mul3A_7 : i32
    "tpu.region"() ({
      %run_scoped3A_34 = tpu.sem_alloc : memref<!tpu.dma_semaphore, #tpu.memory_space<semaphore_mem>>
      %dma_start3A = tpu.memref_slice %arg5[%mul3A_8] : memref<320000xi32, #tpu.memory_space<hbm>> -> memref<20000xi32, #tpu.memory_space<hbm>>
      %dma_start3A_35 = tpu.memref_slice %arg5[%mul3A_8] : memref<320000xi32, #tpu.memory_space<hbm>> -> memref<20000xi32, #tpu.memory_space<hbm>>
      tpu.enqueue_dma source(%dma_start3A_35 : memref<20000xi32, #tpu.memory_space<hbm>>) target(%arg12 : memref<20000xi32, #tpu.memory_space<vmem>>) target_semaphore(%run_scoped3A_34 : memref<!tpu.dma_semaphore, #tpu.memory_space<semaphore_mem>>)
      %dma_wait3A = tpu.memref_slice %arg5[%mul3A_8] : memref<320000xi32, #tpu.memory_space<hbm>> -> memref<20000xi32, #tpu.memory_space<hbm>>
      %dma_wait3A_36 = tpu.memref_slice %arg5[%mul3A_8] : memref<320000xi32, #tpu.memory_space<hbm>> -> memref<20000xi32, #tpu.memory_space<hbm>>
      tpu.wait_dma2 semaphore(%run_scoped3A_34 : memref<!tpu.dma_semaphore, #tpu.memory_space<semaphore_mem>>) src(%dma_wait3A_36 : memref<20000xi32, #tpu.memory_space<hbm>>) dst(%arg12 : memref<20000xi32, #tpu.memory_space<vmem>>)
      tpu.yield
    }) : () -> ()
    "tpu.region"() ({
      %run_scoped3A_34 = tpu.sem_alloc : memref<!tpu.dma_semaphore, #tpu.memory_space<semaphore_mem>>
      tpu.enqueue_dma source(%arg2 : memref<10240xf32, #tpu.memory_space<hbm>>) target(%arg13 : memref<10240xf32, #tpu.memory_space<vmem>>) target_semaphore(%run_scoped3A_34 : memref<!tpu.dma_semaphore, #tpu.memory_space<semaphore_mem>>)
      tpu.wait_dma2 semaphore(%run_scoped3A_34 : memref<!tpu.dma_semaphore, #tpu.memory_space<semaphore_mem>>) src(%arg2 : memref<10240xf32, #tpu.memory_space<hbm>>) dst(%arg13 : memref<10240xf32, #tpu.memory_space<vmem>>)
      tpu.yield
    }) : () -> ()
    "tpu.region"() ({
      %run_scoped3A_34 = tpu.sem_alloc : memref<!tpu.dma_semaphore, #tpu.memory_space<semaphore_mem>>
      tpu.enqueue_dma source(%arg3 : memref<10240xf32, #tpu.memory_space<hbm>>) target(%arg14 : memref<10240xf32, #tpu.memory_space<vmem>>) target_semaphore(%run_scoped3A_34 : memref<!tpu.dma_semaphore, #tpu.memory_space<semaphore_mem>>)
      tpu.wait_dma2 semaphore(%run_scoped3A_34 : memref<!tpu.dma_semaphore, #tpu.memory_space<semaphore_mem>>) src(%arg3 : memref<10240xf32, #tpu.memory_space<hbm>>) dst(%arg14 : memref<10240xf32, #tpu.memory_space<vmem>>)
      tpu.yield
    }) : () -> ()
    "tpu.region"() ({
      %run_scoped3A_34 = tpu.sem_alloc : memref<!tpu.dma_semaphore, #tpu.memory_space<semaphore_mem>>
      %dma_start3A = tpu.memref_slice %arg6[%add3A] : memref<10240xf32, #tpu.memory_space<hbm>> -> memref<320xf32, #tpu.memory_space<hbm>>
      %dma_start3A_35 = tpu.memref_slice %arg6[%add3A] : memref<10240xf32, #tpu.memory_space<hbm>> -> memref<320xf32, #tpu.memory_space<hbm>>
      tpu.enqueue_dma source(%dma_start3A_35 : memref<320xf32, #tpu.memory_space<hbm>>) target(%arg21 : memref<320xf32, #tpu.memory_space<vmem>>) target_semaphore(%run_scoped3A_34 : memref<!tpu.dma_semaphore, #tpu.memory_space<semaphore_mem>>)
      %dma_wait3A = tpu.memref_slice %arg6[%add3A] : memref<10240xf32, #tpu.memory_space<hbm>> -> memref<320xf32, #tpu.memory_space<hbm>>
      %dma_wait3A_36 = tpu.memref_slice %arg6[%add3A] : memref<10240xf32, #tpu.memory_space<hbm>> -> memref<320xf32, #tpu.memory_space<hbm>>
      tpu.wait_dma2 semaphore(%run_scoped3A_34 : memref<!tpu.dma_semaphore, #tpu.memory_space<semaphore_mem>>) src(%dma_wait3A_36 : memref<320xf32, #tpu.memory_space<hbm>>) dst(%arg21 : memref<320xf32, #tpu.memory_space<vmem>>)
      tpu.yield
    }) : () -> ()
    "tpu.region"() ({
      %run_scoped3A_34 = tpu.sem_alloc : memref<!tpu.dma_semaphore, #tpu.memory_space<semaphore_mem>>
      %dma_start3A = tpu.memref_slice %arg7[%add3A] : memref<10240xf32, #tpu.memory_space<hbm>> -> memref<320xf32, #tpu.memory_space<hbm>>
      %dma_start3A_35 = tpu.memref_slice %arg7[%add3A] : memref<10240xf32, #tpu.memory_space<hbm>> -> memref<320xf32, #tpu.memory_space<hbm>>
      tpu.enqueue_dma source(%dma_start3A_35 : memref<320xf32, #tpu.memory_space<hbm>>) target(%arg19 : memref<320xf32, #tpu.memory_space<vmem>>) target_semaphore(%run_scoped3A_34 : memref<!tpu.dma_semaphore, #tpu.memory_space<semaphore_mem>>)
      %dma_wait3A = tpu.memref_slice %arg7[%add3A] : memref<10240xf32, #tpu.memory_space<hbm>> -> memref<320xf32, #tpu.memory_space<hbm>>
      %dma_wait3A_36 = tpu.memref_slice %arg7[%add3A] : memref<10240xf32, #tpu.memory_space<hbm>> -> memref<320xf32, #tpu.memory_space<hbm>>
      tpu.wait_dma2 semaphore(%run_scoped3A_34 : memref<!tpu.dma_semaphore, #tpu.memory_space<semaphore_mem>>) src(%dma_wait3A_36 : memref<320xf32, #tpu.memory_space<hbm>>) dst(%arg19 : memref<320xf32, #tpu.memory_space<vmem>>)
      tpu.yield
    }) : () -> ()
    "tpu.region"() ({
      %run_scoped3A_34 = tpu.sem_alloc : memref<!tpu.dma_semaphore, #tpu.memory_space<semaphore_mem>>
      %dma_start3A = tpu.memref_slice %arg8[%add3A] : memref<10240xf32, #tpu.memory_space<hbm>> -> memref<320xf32, #tpu.memory_space<hbm>>
      %dma_start3A_35 = tpu.memref_slice %arg8[%add3A] : memref<10240xf32, #tpu.memory_space<hbm>> -> memref<320xf32, #tpu.memory_space<hbm>>
      tpu.enqueue_dma source(%dma_start3A_35 : memref<320xf32, #tpu.memory_space<hbm>>) target(%arg20 : memref<320xf32, #tpu.memory_space<vmem>>) target_semaphore(%run_scoped3A_34 : memref<!tpu.dma_semaphore, #tpu.memory_space<semaphore_mem>>)
      %dma_wait3A = tpu.memref_slice %arg8[%add3A] : memref<10240xf32, #tpu.memory_space<hbm>> -> memref<320xf32, #tpu.memory_space<hbm>>
      %dma_wait3A_36 = tpu.memref_slice %arg8[%add3A] : memref<10240xf32, #tpu.memory_space<hbm>> -> memref<320xf32, #tpu.memory_space<hbm>>
      tpu.wait_dma2 semaphore(%run_scoped3A_34 : memref<!tpu.dma_semaphore, #tpu.memory_space<semaphore_mem>>) src(%dma_wait3A_36 : memref<320xf32, #tpu.memory_space<hbm>>) dst(%arg20 : memref<320xf32, #tpu.memory_space<vmem>>)
      tpu.yield
    }) : () -> ()
    %broadcast_in_dim3A = arith.constant 0.000000e+00 : f32
    %broadcast_in_dim3A_9 = vector.broadcast %broadcast_in_dim3A : f32 to vector<16xf32>
    %scan3A = arith.constant 0 : i32
    %scan3A_10 = arith.constant 0 : i32
    %scan3A_11 = arith.constant 320 : i32
    %scan3A_12 = arith.addi %scan3A_10, %scan3A_11 : i32
    %scan3A_13 = arith.constant 1 : i32
    scf.for %scan3A_34 = %scan3A_10 to %scan3A_12 step %scan3A_13  : i32 {
      %mul3A_35 = arith.constant 16 : i32
      %mul3A_36 = arith.muli %scan3A_34, %mul3A_35 : i32
      %multiple_of3A = tpu.assume_multiple %mul3A_36, 16 : i32
      %swap3A = arith.index_cast %multiple_of3A : i32 to index
      %swap3A_37 = tpu.vector_load %arg15[%swap3A] {strides = array<i32>} : memref<5120xf32, #tpu.memory_space<vmem>>, vector<16xf32>,
      tpu.vector_store %arg15[%swap3A], %broadcast_in_dim3A_9 {strides = array<i32>} : memref<5120xf32, #tpu.memory_space<vmem>>, vector<16xf32>,
      %swap3A_38 = arith.index_cast %multiple_of3A : i32 to index
      %swap3A_39 = tpu.vector_load %arg16[%swap3A_38] {strides = array<i32>} : memref<5120xf32, #tpu.memory_space<vmem>>, vector<16xf32>,
      tpu.vector_store %arg16[%swap3A_38], %broadcast_in_dim3A_9 {strides = array<i32>} : memref<5120xf32, #tpu.memory_space<vmem>>, vector<16xf32>,
    }
    %scan3A_14 = arith.constant 320 : i32
    %scan3A_15 = arith.constant 0 : i32
    %scan3A_16 = arith.constant 0 : i32
    %scan3A_17 = arith.constant 1250 : i32
    %scan3A_18 = arith.addi %scan3A_16, %scan3A_17 : i32
    %scan3A_19 = arith.constant 1 : i32
    scf.for %scan3A_34 = %scan3A_16 to %scan3A_18 step %scan3A_19  : i32 {
      %mul3A_35 = arith.constant 16 : i32
      %mul3A_36 = arith.muli %scan3A_34, %mul3A_35 : i32
      %multiple_of3A = tpu.assume_multiple %mul3A_36, 16 : i32
      %get3A = arith.index_cast %multiple_of3A : i32 to index
      %get3A_37 = tpu.vector_load %arg11[%get3A] {strides = array<i32>} : memref<20000xi32, #tpu.memory_space<vmem>>, vector<16xi32>,
      %get3A_38 = arith.index_cast %multiple_of3A : i32 to index
      %get3A_39 = tpu.vector_load %arg12[%get3A_38] {strides = array<i32>} : memref<20000xi32, #tpu.memory_space<vmem>>, vector<16xi32>,
      %ge3A = vector.broadcast %mul3A_0 : i32 to vector<16xi32>
      %ge3A_40 = arith.cmpi sge, %get3A_39, %ge3A : vector<16xi32>
      %add3A_41 = arith.constant 5120 : i32
      %add3A_42 = arith.addi %mul3A_0, %add3A_41 : i32
      %lt3A = vector.broadcast %add3A_42 : i32 to vector<16xi32>
      %lt3A_43 = arith.cmpi slt, %get3A_39, %lt3A : vector<16xi32>
      %and3A = arith.andi %ge3A_40, %lt3A_43 : vector<16xi1>
      %sub3A = vector.broadcast %mul3A_0 : i32 to vector<16xi32>
      %sub3A_44 = arith.subi %get3A_39, %sub3A : vector<16xi32>
      %jit3A = arith.constant 0 : i32
      %broadcast_in_dim3A_45 = vector.broadcast %jit3A : i32 to vector<16xi32>
      %select_n3A = arith.select %and3A, %sub3A_44, %broadcast_in_dim3A_45 : vector<16xi1>, vector<16xi32>
      %gather3A = tpu.vector_load_idx %arg13[%get3A_37] : memref<10240xf32, #tpu.memory_space<vmem>>[vector<16xi32>], vector<16xf32>,
      %gather3A_46 = tpu.vector_load_idx %arg14[%get3A_37] : memref<10240xf32, #tpu.memory_space<vmem>>[vector<16xi32>], vector<16xf32>,
      tpu.vector_store_idx %arg15[%select_n3A], %gather3A masked %and3A {add = true} : memref<5120xf32, #tpu.memory_space<vmem>>[vector<16xi32>], vector<16xf32>, vector<16xi1>
      tpu.vector_store_idx %arg16[%select_n3A], %gather3A_46 masked %and3A {add = true} : memref<5120xf32, #tpu.memory_space<vmem>>[vector<16xi32>], vector<16xf32>, vector<16xi1>
    }
    %scan3A_20 = arith.constant 1250 : i32
    %run_scoped3A = arith.constant 0 : i32
    "tpu.region"() ({
      %run_scoped3A_34 = tpu.sem_alloc : memref<!tpu.dma_semaphore, #tpu.memory_space<semaphore_mem>>
      %dma_start3A = arith.constant 0 : i32
      %dma_start3A_35 = tpu.memref_slice %arg24[%arg1, %run_scoped3A, %dma_start3A] : memref<16x2x5120xf32, #tpu.memory_space<vmem_shared>> -> memref<1x1x5120xf32, #tpu.memory_space<vmem_shared>>
      %dma_start3A_36 = tpu.memref_squeeze %dma_start3A_35 : memref<1x1x5120xf32, #tpu.memory_space<vmem_shared>> -> memref<5120xf32, #tpu.memory_space<vmem_shared>>
      %dma_start3A_37 = arith.constant 0 : i32
      %dma_start3A_38 = tpu.memref_slice %arg24[%arg1, %run_scoped3A, %dma_start3A_37] : memref<16x2x5120xf32, #tpu.memory_space<vmem_shared>> -> memref<1x1x5120xf32, #tpu.memory_space<vmem_shared>>
      %dma_start3A_39 = tpu.memref_squeeze %dma_start3A_38 : memref<1x1x5120xf32, #tpu.memory_space<vmem_shared>> -> memref<5120xf32, #tpu.memory_space<vmem_shared>>
      tpu.enqueue_dma source(%arg15 : memref<5120xf32, #tpu.memory_space<vmem>>) target(%dma_start3A_39 : memref<5120xf32, #tpu.memory_space<vmem_shared>>) target_semaphore(%run_scoped3A_34 : memref<!tpu.dma_semaphore, #tpu.memory_space<semaphore_mem>>)
      %dma_wait3A = arith.constant 0 : i32
      %dma_wait3A_40 = tpu.memref_slice %arg24[%arg1, %run_scoped3A, %dma_wait3A] : memref<16x2x5120xf32, #tpu.memory_space<vmem_shared>> -> memref<1x1x5120xf32, #tpu.memory_space<vmem_shared>>
      %dma_wait3A_41 = tpu.memref_squeeze %dma_wait3A_40 : memref<1x1x5120xf32, #tpu.memory_space<vmem_shared>> -> memref<5120xf32, #tpu.memory_space<vmem_shared>>
      %dma_wait3A_42 = arith.constant 0 : i32
      %dma_wait3A_43 = tpu.memref_slice %arg24[%arg1, %run_scoped3A, %dma_wait3A_42] : memref<16x2x5120xf32, #tpu.memory_space<vmem_shared>> -> memref<1x1x5120xf32, #tpu.memory_space<vmem_shared>>
      %dma_wait3A_44 = tpu.memref_squeeze %dma_wait3A_43 : memref<1x1x5120xf32, #tpu.memory_space<vmem_shared>> -> memref<5120xf32, #tpu.memory_space<vmem_shared>>
      tpu.wait_dma2 semaphore(%run_scoped3A_34 : memref<!tpu.dma_semaphore, #tpu.memory_space<semaphore_mem>>) src(%arg15 : memref<5120xf32, #tpu.memory_space<vmem>>) dst(%dma_wait3A_44 : memref<5120xf32, #tpu.memory_space<vmem_shared>>)
      tpu.yield
    }) : () -> ()
    %run_scoped3A_21 = arith.constant 1 : i32
    "tpu.region"() ({
      %run_scoped3A_34 = tpu.sem_alloc : memref<!tpu.dma_semaphore, #tpu.memory_space<semaphore_mem>>
      %dma_start3A = arith.constant 0 : i32
      %dma_start3A_35 = tpu.memref_slice %arg24[%arg1, %run_scoped3A_21, %dma_start3A] : memref<16x2x5120xf32, #tpu.memory_space<vmem_shared>> -> memref<1x1x5120xf32, #tpu.memory_space<vmem_shared>>
      %dma_start3A_36 = tpu.memref_squeeze %dma_start3A_35 : memref<1x1x5120xf32, #tpu.memory_space<vmem_shared>> -> memref<5120xf32, #tpu.memory_space<vmem_shared>>
      %dma_start3A_37 = arith.constant 0 : i32
      %dma_start3A_38 = tpu.memref_slice %arg24[%arg1, %run_scoped3A_21, %dma_start3A_37] : memref<16x2x5120xf32, #tpu.memory_space<vmem_shared>> -> memref<1x1x5120xf32, #tpu.memory_space<vmem_shared>>
      %dma_start3A_39 = tpu.memref_squeeze %dma_start3A_38 : memref<1x1x5120xf32, #tpu.memory_space<vmem_shared>> -> memref<5120xf32, #tpu.memory_space<vmem_shared>>
      tpu.enqueue_dma source(%arg16 : memref<5120xf32, #tpu.memory_space<vmem>>) target(%dma_start3A_39 : memref<5120xf32, #tpu.memory_space<vmem_shared>>) target_semaphore(%run_scoped3A_34 : memref<!tpu.dma_semaphore, #tpu.memory_space<semaphore_mem>>)
      %dma_wait3A = arith.constant 0 : i32
      %dma_wait3A_40 = tpu.memref_slice %arg24[%arg1, %run_scoped3A_21, %dma_wait3A] : memref<16x2x5120xf32, #tpu.memory_space<vmem_shared>> -> memref<1x1x5120xf32, #tpu.memory_space<vmem_shared>>
      %dma_wait3A_41 = tpu.memref_squeeze %dma_wait3A_40 : memref<1x1x5120xf32, #tpu.memory_space<vmem_shared>> -> memref<5120xf32, #tpu.memory_space<vmem_shared>>
      %dma_wait3A_42 = arith.constant 0 : i32
      %dma_wait3A_43 = tpu.memref_slice %arg24[%arg1, %run_scoped3A_21, %dma_wait3A_42] : memref<16x2x5120xf32, #tpu.memory_space<vmem_shared>> -> memref<1x1x5120xf32, #tpu.memory_space<vmem_shared>>
      %dma_wait3A_44 = tpu.memref_squeeze %dma_wait3A_43 : memref<1x1x5120xf32, #tpu.memory_space<vmem_shared>> -> memref<5120xf32, #tpu.memory_space<vmem_shared>>
      tpu.wait_dma2 semaphore(%run_scoped3A_34 : memref<!tpu.dma_semaphore, #tpu.memory_space<semaphore_mem>>) src(%arg16 : memref<5120xf32, #tpu.memory_space<vmem>>) dst(%dma_wait3A_44 : memref<5120xf32, #tpu.memory_space<vmem_shared>>)
      tpu.yield
    }) : () -> ()
    %barrier3A = arith.constant 0 : index
    tpu.barrier barrier_id(%barrier3A)
    %mul3A_22 = arith.constant 320 : i32
    %mul3A_23 = arith.muli %arg1, %mul3A_22 : i32
    %run_scoped3A_24 = arith.constant 0 : i32
    "tpu.region"() ({
      %run_scoped3A_34 = tpu.sem_alloc : memref<!tpu.dma_semaphore, #tpu.memory_space<semaphore_mem>>
      %dma_start3A = arith.constant 0 : i32
      %dma_start3A_35 = tpu.memref_slice %arg24[%dma_start3A, %run_scoped3A_24, %mul3A_23] : memref<16x2x5120xf32, #tpu.memory_space<vmem_shared>> -> memref<16x1x320xf32, #tpu.memory_space<vmem_shared>>
      %dma_start3A_36 = tpu.memref_squeeze %dma_start3A_35 : memref<16x1x320xf32, #tpu.memory_space<vmem_shared>> -> memref<16x320xf32, #tpu.memory_space<vmem_shared>>
      %dma_start3A_37 = arith.constant 0 : i32
      %dma_start3A_38 = tpu.memref_slice %arg24[%dma_start3A_37, %run_scoped3A_24, %mul3A_23] : memref<16x2x5120xf32, #tpu.memory_space<vmem_shared>> -> memref<16x1x320xf32, #tpu.memory_space<vmem_shared>>
      %dma_start3A_39 = tpu.memref_squeeze %dma_start3A_38 : memref<16x1x320xf32, #tpu.memory_space<vmem_shared>> -> memref<16x320xf32, #tpu.memory_space<vmem_shared>>
      tpu.enqueue_dma source(%dma_start3A_39 : memref<16x320xf32, #tpu.memory_space<vmem_shared>>) target(%arg17 : memref<16x320xf32, #tpu.memory_space<vmem>>) target_semaphore(%run_scoped3A_34 : memref<!tpu.dma_semaphore, #tpu.memory_space<semaphore_mem>>)
      %dma_wait3A = arith.constant 0 : i32
      %dma_wait3A_40 = tpu.memref_slice %arg24[%dma_wait3A, %run_scoped3A_24, %mul3A_23] : memref<16x2x5120xf32, #tpu.memory_space<vmem_shared>> -> memref<16x1x320xf32, #tpu.memory_space<vmem_shared>>
      %dma_wait3A_41 = tpu.memref_squeeze %dma_wait3A_40 : memref<16x1x320xf32, #tpu.memory_space<vmem_shared>> -> memref<16x320xf32, #tpu.memory_space<vmem_shared>>
      %dma_wait3A_42 = arith.constant 0 : i32
      %dma_wait3A_43 = tpu.memref_slice %arg24[%dma_wait3A_42, %run_scoped3A_24, %mul3A_23] : memref<16x2x5120xf32, #tpu.memory_space<vmem_shared>> -> memref<16x1x320xf32, #tpu.memory_space<vmem_shared>>
      %dma_wait3A_44 = tpu.memref_squeeze %dma_wait3A_43 : memref<16x1x320xf32, #tpu.memory_space<vmem_shared>> -> memref<16x320xf32, #tpu.memory_space<vmem_shared>>
      tpu.wait_dma2 semaphore(%run_scoped3A_34 : memref<!tpu.dma_semaphore, #tpu.memory_space<semaphore_mem>>) src(%dma_wait3A_44 : memref<16x320xf32, #tpu.memory_space<vmem_shared>>) dst(%arg17 : memref<16x320xf32, #tpu.memory_space<vmem>>)
      tpu.yield
    }) : () -> ()
    %mul3A_25 = arith.constant 320 : i32
    %mul3A_26 = arith.muli %arg1, %mul3A_25 : i32
    %run_scoped3A_27 = arith.constant 1 : i32
    "tpu.region"() ({
      %run_scoped3A_34 = tpu.sem_alloc : memref<!tpu.dma_semaphore, #tpu.memory_space<semaphore_mem>>
      %dma_start3A = arith.constant 0 : i32
      %dma_start3A_35 = tpu.memref_slice %arg24[%dma_start3A, %run_scoped3A_27, %mul3A_26] : memref<16x2x5120xf32, #tpu.memory_space<vmem_shared>> -> memref<16x1x320xf32, #tpu.memory_space<vmem_shared>>
      %dma_start3A_36 = tpu.memref_squeeze %dma_start3A_35 : memref<16x1x320xf32, #tpu.memory_space<vmem_shared>> -> memref<16x320xf32, #tpu.memory_space<vmem_shared>>
      %dma_start3A_37 = arith.constant 0 : i32
      %dma_start3A_38 = tpu.memref_slice %arg24[%dma_start3A_37, %run_scoped3A_27, %mul3A_26] : memref<16x2x5120xf32, #tpu.memory_space<vmem_shared>> -> memref<16x1x320xf32, #tpu.memory_space<vmem_shared>>
      %dma_start3A_39 = tpu.memref_squeeze %dma_start3A_38 : memref<16x1x320xf32, #tpu.memory_space<vmem_shared>> -> memref<16x320xf32, #tpu.memory_space<vmem_shared>>
      tpu.enqueue_dma source(%dma_start3A_39 : memref<16x320xf32, #tpu.memory_space<vmem_shared>>) target(%arg18 : memref<16x320xf32, #tpu.memory_space<vmem>>) target_semaphore(%run_scoped3A_34 : memref<!tpu.dma_semaphore, #tpu.memory_space<semaphore_mem>>)
      %dma_wait3A = arith.constant 0 : i32
      %dma_wait3A_40 = tpu.memref_slice %arg24[%dma_wait3A, %run_scoped3A_27, %mul3A_26] : memref<16x2x5120xf32, #tpu.memory_space<vmem_shared>> -> memref<16x1x320xf32, #tpu.memory_space<vmem_shared>>
      %dma_wait3A_41 = tpu.memref_squeeze %dma_wait3A_40 : memref<16x1x320xf32, #tpu.memory_space<vmem_shared>> -> memref<16x320xf32, #tpu.memory_space<vmem_shared>>
      %dma_wait3A_42 = arith.constant 0 : i32
      %dma_wait3A_43 = tpu.memref_slice %arg24[%dma_wait3A_42, %run_scoped3A_27, %mul3A_26] : memref<16x2x5120xf32, #tpu.memory_space<vmem_shared>> -> memref<16x1x320xf32, #tpu.memory_space<vmem_shared>>
      %dma_wait3A_44 = tpu.memref_squeeze %dma_wait3A_43 : memref<16x1x320xf32, #tpu.memory_space<vmem_shared>> -> memref<16x320xf32, #tpu.memory_space<vmem_shared>>
      tpu.wait_dma2 semaphore(%run_scoped3A_34 : memref<!tpu.dma_semaphore, #tpu.memory_space<semaphore_mem>>) src(%dma_wait3A_44 : memref<16x320xf32, #tpu.memory_space<vmem_shared>>) dst(%arg18 : memref<16x320xf32, #tpu.memory_space<vmem>>)
      tpu.yield
    }) : () -> ()
    %scan3A_28 = arith.constant 0 : i32
    %scan3A_29 = arith.constant 0 : i32
    %scan3A_30 = arith.constant 20 : i32
    %scan3A_31 = arith.addi %scan3A_29, %scan3A_30 : i32
    %scan3A_32 = arith.constant 1 : i32
    scf.for %scan3A_34 = %scan3A_29 to %scan3A_31 step %scan3A_32  : i32 {
      %mul3A_35 = arith.constant 16 : i32
      %mul3A_36 = arith.muli %scan3A_34, %mul3A_35 : i32
      %multiple_of3A = tpu.assume_multiple %mul3A_36, 16 : i32
      %get3A = arith.constant 0 : i32
      %get3A_37 = arith.index_cast %get3A : i32 to index
      %get3A_38 = arith.index_cast %multiple_of3A : i32 to index
      %get3A_39 = tpu.vector_load %arg17[%get3A_37, %get3A_38] {strides = array<i32>} : memref<16x320xf32, #tpu.memory_space<vmem>>, vector<16xf32>,
      %get3A_40 = arith.constant 0 : i32
      %get3A_41 = arith.index_cast %get3A_40 : i32 to index
      %get3A_42 = arith.index_cast %multiple_of3A : i32 to index
      %get3A_43 = tpu.vector_load %arg18[%get3A_41, %get3A_42] {strides = array<i32>} : memref<16x320xf32, #tpu.memory_space<vmem>>, vector<16xf32>,
      %get3A_44 = arith.constant 1 : i32
      %get3A_45 = arith.index_cast %get3A_44 : i32 to index
      %get3A_46 = arith.index_cast %multiple_of3A : i32 to index
      %get3A_47 = tpu.vector_load %arg17[%get3A_45, %get3A_46] {strides = array<i32>} : memref<16x320xf32, #tpu.memory_space<vmem>>, vector<16xf32>,
      %add3A_48 = arith.addf %get3A_39, %get3A_47 : vector<16xf32>
      %get3A_49 = arith.constant 1 : i32
      %get3A_50 = arith.index_cast %get3A_49 : i32 to index
      %get3A_51 = arith.index_cast %multiple_of3A : i32 to index
      %get3A_52 = tpu.vector_load %arg18[%get3A_50, %get3A_51] {strides = array<i32>} : memref<16x320xf32, #tpu.memory_space<vmem>>, vector<16xf32>,
      %add3A_53 = arith.addf %get3A_43, %get3A_52 : vector<16xf32>
      %get3A_54 = arith.constant 2 : i32
      %get3A_55 = arith.index_cast %get3A_54 : i32 to index
      %get3A_56 = arith.index_cast %multiple_of3A : i32 to index
      %get3A_57 = tpu.vector_load %arg17[%get3A_55, %get3A_56] {strides = array<i32>} : memref<16x320xf32, #tpu.memory_space<vmem>>, vector<16xf32>,
      %add3A_58 = arith.addf %add3A_48, %get3A_57 : vector<16xf32>
      %get3A_59 = arith.constant 2 : i32
      %get3A_60 = arith.index_cast %get3A_59 : i32 to index
      %get3A_61 = arith.index_cast %multiple_of3A : i32 to index
      %get3A_62 = tpu.vector_load %arg18[%get3A_60, %get3A_61] {strides = array<i32>} : memref<16x320xf32, #tpu.memory_space<vmem>>, vector<16xf32>,
      %add3A_63 = arith.addf %add3A_53, %get3A_62 : vector<16xf32>
      %get3A_64 = arith.constant 3 : i32
      %get3A_65 = arith.index_cast %get3A_64 : i32 to index
      %get3A_66 = arith.index_cast %multiple_of3A : i32 to index
      %get3A_67 = tpu.vector_load %arg17[%get3A_65, %get3A_66] {strides = array<i32>} : memref<16x320xf32, #tpu.memory_space<vmem>>, vector<16xf32>,
      %add3A_68 = arith.addf %add3A_58, %get3A_67 : vector<16xf32>
      %get3A_69 = arith.constant 3 : i32
      %get3A_70 = arith.index_cast %get3A_69 : i32 to index
      %get3A_71 = arith.index_cast %multiple_of3A : i32 to index
      %get3A_72 = tpu.vector_load %arg18[%get3A_70, %get3A_71] {strides = array<i32>} : memref<16x320xf32, #tpu.memory_space<vmem>>, vector<16xf32>,
      %add3A_73 = arith.addf %add3A_63, %get3A_72 : vector<16xf32>
      %get3A_74 = arith.constant 4 : i32
      %get3A_75 = arith.index_cast %get3A_74 : i32 to index
      %get3A_76 = arith.index_cast %multiple_of3A : i32 to index
      %get3A_77 = tpu.vector_load %arg17[%get3A_75, %get3A_76] {strides = array<i32>} : memref<16x320xf32, #tpu.memory_space<vmem>>, vector<16xf32>,
      %add3A_78 = arith.addf %add3A_68, %get3A_77 : vector<16xf32>
      %get3A_79 = arith.constant 4 : i32
      %get3A_80 = arith.index_cast %get3A_79 : i32 to index
      %get3A_81 = arith.index_cast %multiple_of3A : i32 to index
      %get3A_82 = tpu.vector_load %arg18[%get3A_80, %get3A_81] {strides = array<i32>} : memref<16x320xf32, #tpu.memory_space<vmem>>, vector<16xf32>,
      %add3A_83 = arith.addf %add3A_73, %get3A_82 : vector<16xf32>
      %get3A_84 = arith.constant 5 : i32
      %get3A_85 = arith.index_cast %get3A_84 : i32 to index
      %get3A_86 = arith.index_cast %multiple_of3A : i32 to index
      %get3A_87 = tpu.vector_load %arg17[%get3A_85, %get3A_86] {strides = array<i32>} : memref<16x320xf32, #tpu.memory_space<vmem>>, vector<16xf32>,
      %add3A_88 = arith.addf %add3A_78, %get3A_87 : vector<16xf32>
      %get3A_89 = arith.constant 5 : i32
      %get3A_90 = arith.index_cast %get3A_89 : i32 to index
      %get3A_91 = arith.index_cast %multiple_of3A : i32 to index
      %get3A_92 = tpu.vector_load %arg18[%get3A_90, %get3A_91] {strides = array<i32>} : memref<16x320xf32, #tpu.memory_space<vmem>>, vector<16xf32>,
      %add3A_93 = arith.addf %add3A_83, %get3A_92 : vector<16xf32>
      %get3A_94 = arith.constant 6 : i32
      %get3A_95 = arith.index_cast %get3A_94 : i32 to index
      %get3A_96 = arith.index_cast %multiple_of3A : i32 to index
      %get3A_97 = tpu.vector_load %arg17[%get3A_95, %get3A_96] {strides = array<i32>} : memref<16x320xf32, #tpu.memory_space<vmem>>, vector<16xf32>,
      %add3A_98 = arith.addf %add3A_88, %get3A_97 : vector<16xf32>
      %get3A_99 = arith.constant 6 : i32
      %get3A_100 = arith.index_cast %get3A_99 : i32 to index
      %get3A_101 = arith.index_cast %multiple_of3A : i32 to index
      %get3A_102 = tpu.vector_load %arg18[%get3A_100, %get3A_101] {strides = array<i32>} : memref<16x320xf32, #tpu.memory_space<vmem>>, vector<16xf32>,
      %add3A_103 = arith.addf %add3A_93, %get3A_102 : vector<16xf32>
      %get3A_104 = arith.constant 7 : i32
      %get3A_105 = arith.index_cast %get3A_104 : i32 to index
      %get3A_106 = arith.index_cast %multiple_of3A : i32 to index
      %get3A_107 = tpu.vector_load %arg17[%get3A_105, %get3A_106] {strides = array<i32>} : memref<16x320xf32, #tpu.memory_space<vmem>>, vector<16xf32>,
      %add3A_108 = arith.addf %add3A_98, %get3A_107 : vector<16xf32>
      %get3A_109 = arith.constant 7 : i32
      %get3A_110 = arith.index_cast %get3A_109 : i32 to index
      %get3A_111 = arith.index_cast %multiple_of3A : i32 to index
      %get3A_112 = tpu.vector_load %arg18[%get3A_110, %get3A_111] {strides = array<i32>} : memref<16x320xf32, #tpu.memory_space<vmem>>, vector<16xf32>,
      %add3A_113 = arith.addf %add3A_103, %get3A_112 : vector<16xf32>
      %get3A_114 = arith.constant 8 : i32
      %get3A_115 = arith.index_cast %get3A_114 : i32 to index
      %get3A_116 = arith.index_cast %multiple_of3A : i32 to index
      %get3A_117 = tpu.vector_load %arg17[%get3A_115, %get3A_116] {strides = array<i32>} : memref<16x320xf32, #tpu.memory_space<vmem>>, vector<16xf32>,
      %add3A_118 = arith.addf %add3A_108, %get3A_117 : vector<16xf32>
      %get3A_119 = arith.constant 8 : i32
      %get3A_120 = arith.index_cast %get3A_119 : i32 to index
      %get3A_121 = arith.index_cast %multiple_of3A : i32 to index
      %get3A_122 = tpu.vector_load %arg18[%get3A_120, %get3A_121] {strides = array<i32>} : memref<16x320xf32, #tpu.memory_space<vmem>>, vector<16xf32>,
      %add3A_123 = arith.addf %add3A_113, %get3A_122 : vector<16xf32>
      %get3A_124 = arith.constant 9 : i32
      %get3A_125 = arith.index_cast %get3A_124 : i32 to index
      %get3A_126 = arith.index_cast %multiple_of3A : i32 to index
      %get3A_127 = tpu.vector_load %arg17[%get3A_125, %get3A_126] {strides = array<i32>} : memref<16x320xf32, #tpu.memory_space<vmem>>, vector<16xf32>,
      %add3A_128 = arith.addf %add3A_118, %get3A_127 : vector<16xf32>
      %get3A_129 = arith.constant 9 : i32
      %get3A_130 = arith.index_cast %get3A_129 : i32 to index
      %get3A_131 = arith.index_cast %multiple_of3A : i32 to index
      %get3A_132 = tpu.vector_load %arg18[%get3A_130, %get3A_131] {strides = array<i32>} : memref<16x320xf32, #tpu.memory_space<vmem>>, vector<16xf32>,
      %add3A_133 = arith.addf %add3A_123, %get3A_132 : vector<16xf32>
      %get3A_134 = arith.constant 10 : i32
      %get3A_135 = arith.index_cast %get3A_134 : i32 to index
      %get3A_136 = arith.index_cast %multiple_of3A : i32 to index
      %get3A_137 = tpu.vector_load %arg17[%get3A_135, %get3A_136] {strides = array<i32>} : memref<16x320xf32, #tpu.memory_space<vmem>>, vector<16xf32>,
      %add3A_138 = arith.addf %add3A_128, %get3A_137 : vector<16xf32>
      %get3A_139 = arith.constant 10 : i32
      %get3A_140 = arith.index_cast %get3A_139 : i32 to index
      %get3A_141 = arith.index_cast %multiple_of3A : i32 to index
      %get3A_142 = tpu.vector_load %arg18[%get3A_140, %get3A_141] {strides = array<i32>} : memref<16x320xf32, #tpu.memory_space<vmem>>, vector<16xf32>,
      %add3A_143 = arith.addf %add3A_133, %get3A_142 : vector<16xf32>
      %get3A_144 = arith.constant 11 : i32
      %get3A_145 = arith.index_cast %get3A_144 : i32 to index
      %get3A_146 = arith.index_cast %multiple_of3A : i32 to index
      %get3A_147 = tpu.vector_load %arg17[%get3A_145, %get3A_146] {strides = array<i32>} : memref<16x320xf32, #tpu.memory_space<vmem>>, vector<16xf32>,
      %add3A_148 = arith.addf %add3A_138, %get3A_147 : vector<16xf32>
      %get3A_149 = arith.constant 11 : i32
      %get3A_150 = arith.index_cast %get3A_149 : i32 to index
      %get3A_151 = arith.index_cast %multiple_of3A : i32 to index
      %get3A_152 = tpu.vector_load %arg18[%get3A_150, %get3A_151] {strides = array<i32>} : memref<16x320xf32, #tpu.memory_space<vmem>>, vector<16xf32>,
      %add3A_153 = arith.addf %add3A_143, %get3A_152 : vector<16xf32>
      %get3A_154 = arith.constant 12 : i32
      %get3A_155 = arith.index_cast %get3A_154 : i32 to index
      %get3A_156 = arith.index_cast %multiple_of3A : i32 to index
      %get3A_157 = tpu.vector_load %arg17[%get3A_155, %get3A_156] {strides = array<i32>} : memref<16x320xf32, #tpu.memory_space<vmem>>, vector<16xf32>,
      %add3A_158 = arith.addf %add3A_148, %get3A_157 : vector<16xf32>
      %get3A_159 = arith.constant 12 : i32
      %get3A_160 = arith.index_cast %get3A_159 : i32 to index
      %get3A_161 = arith.index_cast %multiple_of3A : i32 to index
      %get3A_162 = tpu.vector_load %arg18[%get3A_160, %get3A_161] {strides = array<i32>} : memref<16x320xf32, #tpu.memory_space<vmem>>, vector<16xf32>,
      %add3A_163 = arith.addf %add3A_153, %get3A_162 : vector<16xf32>
      %get3A_164 = arith.constant 13 : i32
      %get3A_165 = arith.index_cast %get3A_164 : i32 to index
      %get3A_166 = arith.index_cast %multiple_of3A : i32 to index
      %get3A_167 = tpu.vector_load %arg17[%get3A_165, %get3A_166] {strides = array<i32>} : memref<16x320xf32, #tpu.memory_space<vmem>>, vector<16xf32>,
      %add3A_168 = arith.addf %add3A_158, %get3A_167 : vector<16xf32>
      %get3A_169 = arith.constant 13 : i32
      %get3A_170 = arith.index_cast %get3A_169 : i32 to index
      %get3A_171 = arith.index_cast %multiple_of3A : i32 to index
      %get3A_172 = tpu.vector_load %arg18[%get3A_170, %get3A_171] {strides = array<i32>} : memref<16x320xf32, #tpu.memory_space<vmem>>, vector<16xf32>,
      %add3A_173 = arith.addf %add3A_163, %get3A_172 : vector<16xf32>
      %get3A_174 = arith.constant 14 : i32
      %get3A_175 = arith.index_cast %get3A_174 : i32 to index
      %get3A_176 = arith.index_cast %multiple_of3A : i32 to index
      %get3A_177 = tpu.vector_load %arg17[%get3A_175, %get3A_176] {strides = array<i32>} : memref<16x320xf32, #tpu.memory_space<vmem>>, vector<16xf32>,
      %add3A_178 = arith.addf %add3A_168, %get3A_177 : vector<16xf32>
      %get3A_179 = arith.constant 14 : i32
      %get3A_180 = arith.index_cast %get3A_179 : i32 to index
      %get3A_181 = arith.index_cast %multiple_of3A : i32 to index
      %get3A_182 = tpu.vector_load %arg18[%get3A_180, %get3A_181] {strides = array<i32>} : memref<16x320xf32, #tpu.memory_space<vmem>>, vector<16xf32>,
      %add3A_183 = arith.addf %add3A_173, %get3A_182 : vector<16xf32>
      %get3A_184 = arith.constant 15 : i32
      %get3A_185 = arith.index_cast %get3A_184 : i32 to index
      %get3A_186 = arith.index_cast %multiple_of3A : i32 to index
      %get3A_187 = tpu.vector_load %arg17[%get3A_185, %get3A_186] {strides = array<i32>} : memref<16x320xf32, #tpu.memory_space<vmem>>, vector<16xf32>,
      %add3A_188 = arith.addf %add3A_178, %get3A_187 : vector<16xf32>
      %get3A_189 = arith.constant 15 : i32
      %get3A_190 = arith.index_cast %get3A_189 : i32 to index
      %get3A_191 = arith.index_cast %multiple_of3A : i32 to index
      %get3A_192 = tpu.vector_load %arg18[%get3A_190, %get3A_191] {strides = array<i32>} : memref<16x320xf32, #tpu.memory_space<vmem>>, vector<16xf32>,
      %add3A_193 = arith.addf %add3A_183, %get3A_192 : vector<16xf32>
      %get3A_194 = arith.index_cast %multiple_of3A : i32 to index
      %get3A_195 = tpu.vector_load %arg21[%get3A_194] {strides = array<i32>} : memref<320xf32, #tpu.memory_space<vmem>>, vector<16xf32>,
      %div3A = arith.divf %add3A_188, %get3A_195 : vector<16xf32>
      %get3A_196 = arith.index_cast %multiple_of3A : i32 to index
      %get3A_197 = tpu.vector_load %arg19[%get3A_196] {strides = array<i32>} : memref<320xf32, #tpu.memory_space<vmem>>, vector<16xf32>,
      %add3A_198 = arith.addf %div3A, %get3A_197 : vector<16xf32>
      %swap3A = arith.index_cast %multiple_of3A : i32 to index
      %swap3A_199 = tpu.vector_load %arg22[%swap3A] {strides = array<i32>} : memref<320xf32, #tpu.memory_space<vmem>>, vector<16xf32>,
      tpu.vector_store %arg22[%swap3A], %add3A_198 {strides = array<i32>} : memref<320xf32, #tpu.memory_space<vmem>>, vector<16xf32>,
      %div3A_200 = arith.divf %add3A_193, %get3A_195 : vector<16xf32>
      %get3A_201 = arith.index_cast %multiple_of3A : i32 to index
      %get3A_202 = tpu.vector_load %arg20[%get3A_201] {strides = array<i32>} : memref<320xf32, #tpu.memory_space<vmem>>, vector<16xf32>,
      %add3A_203 = arith.addf %div3A_200, %get3A_202 : vector<16xf32>
      %swap3A_204 = arith.index_cast %multiple_of3A : i32 to index
      %swap3A_205 = tpu.vector_load %arg23[%swap3A_204] {strides = array<i32>} : memref<320xf32, #tpu.memory_space<vmem>>, vector<16xf32>,
      tpu.vector_store %arg23[%swap3A_204], %add3A_203 {strides = array<i32>} : memref<320xf32, #tpu.memory_space<vmem>>, vector<16xf32>,
    }
    %scan3A_33 = arith.constant 20 : i32
    "tpu.region"() ({
      %run_scoped3A_34 = tpu.sem_alloc : memref<!tpu.dma_semaphore, #tpu.memory_space<semaphore_mem>>
      %dma_start3A = tpu.memref_slice %arg9[%add3A] : memref<10240xf32, #tpu.memory_space<hbm>> -> memref<320xf32, #tpu.memory_space<hbm>>
      %dma_start3A_35 = tpu.memref_slice %arg9[%add3A] : memref<10240xf32, #tpu.memory_space<hbm>> -> memref<320xf32, #tpu.memory_space<hbm>>
      tpu.enqueue_dma source(%arg22 : memref<320xf32, #tpu.memory_space<vmem>>) target(%dma_start3A_35 : memref<320xf32, #tpu.memory_space<hbm>>) target_semaphore(%run_scoped3A_34 : memref<!tpu.dma_semaphore, #tpu.memory_space<semaphore_mem>>)
      %dma_wait3A = tpu.memref_slice %arg9[%add3A] : memref<10240xf32, #tpu.memory_space<hbm>> -> memref<320xf32, #tpu.memory_space<hbm>>
      %dma_wait3A_36 = tpu.memref_slice %arg9[%add3A] : memref<10240xf32, #tpu.memory_space<hbm>> -> memref<320xf32, #tpu.memory_space<hbm>>
      tpu.wait_dma2 semaphore(%run_scoped3A_34 : memref<!tpu.dma_semaphore, #tpu.memory_space<semaphore_mem>>) src(%arg22 : memref<320xf32, #tpu.memory_space<vmem>>) dst(%dma_wait3A_36 : memref<320xf32, #tpu.memory_space<hbm>>)
      tpu.yield
    }) : () -> ()
    "tpu.region"() ({
      %run_scoped3A_34 = tpu.sem_alloc : memref<!tpu.dma_semaphore, #tpu.memory_space<semaphore_mem>>
      %dma_start3A = tpu.memref_slice %arg10[%add3A] : memref<10240xf32, #tpu.memory_space<hbm>> -> memref<320xf32, #tpu.memory_space<hbm>>
      %dma_start3A_35 = tpu.memref_slice %arg10[%add3A] : memref<10240xf32, #tpu.memory_space<hbm>> -> memref<320xf32, #tpu.memory_space<hbm>>
      tpu.enqueue_dma source(%arg23 : memref<320xf32, #tpu.memory_space<vmem>>) target(%dma_start3A_35 : memref<320xf32, #tpu.memory_space<hbm>>) target_semaphore(%run_scoped3A_34 : memref<!tpu.dma_semaphore, #tpu.memory_space<semaphore_mem>>)
      %dma_wait3A = tpu.memref_slice %arg10[%add3A] : memref<10240xf32, #tpu.memory_space<hbm>> -> memref<320xf32, #tpu.memory_space<hbm>>
      %dma_wait3A_36 = tpu.memref_slice %arg10[%add3A] : memref<10240xf32, #tpu.memory_space<hbm>> -> memref<320xf32, #tpu.memory_space<hbm>>
      tpu.wait_dma2 semaphore(%run_scoped3A_34 : memref<!tpu.dma_semaphore, #tpu.memory_space<semaphore_mem>>) src(%arg23 : memref<320xf32, #tpu.memory_space<vmem>>) dst(%dma_wait3A_36 : memref<320xf32, #tpu.memory_space<hbm>>)
      tpu.yield
    }) : () -> ()
    return
  }
}

module attributes {stable_mosaic.version = 14 : i64} {
  func.func @_tc1_body(%arg0: i32, %arg1: memref<2000x128xf32, #tpu.memory_space<vmem>>, %arg2: memref<128x64xf32, #tpu.memory_space<vmem>>, %arg3: memref<128x64xf32, #tpu.memory_space<vmem>>, %arg4: memref<1x64xf32, #tpu.memory_space<vmem>>, %arg5: memref<2000x64xf32, #tpu.memory_space<vmem>>, %arg6: memref<2000x64xf32, #tpu.memory_space<vmem>>) attributes {dimension_semantics = [#tpu.dimension_semantics<arbitrary>], iteration_bounds = array<i64: 5>, scalar_prefetch = 0 : i64, scratch_operands = 0 : i64, tpu.core_type = #tpu.core_type<tc>, window_params = [{transform_indices = @transform_0, window_bounds = array<i64: 2000, 128>}, {pipeline_mode = #tpu.pipeline_mode<synchronous>, transform_indices = @transform_1, window_bounds = array<i64: 128, 64>}, {pipeline_mode = #tpu.pipeline_mode<synchronous>, transform_indices = @transform_2, window_bounds = array<i64: 128, 64>}, {pipeline_mode = #tpu.pipeline_mode<synchronous>, transform_indices = @transform_3, window_bounds = array<i64: 1, 64>}, {transform_indices = @transform_4, window_bounds = array<i64: 2000, 64>}, {transform_indices = @transform_5, window_bounds = array<i64: 2000, 64>}]} {
    %get3A = arith.constant 0 : index
    %get3A_0 = arith.constant 0 : index
    %get3A_1 = vector.load %arg1[%get3A, %get3A_0] : memref<2000x128xf32, #tpu.memory_space<vmem>>, vector<2000x128xf32>
    %get3A_2 = arith.constant 0 : index
    %get3A_3 = arith.constant 0 : index
    %get3A_4 = vector.load %arg2[%get3A_2, %get3A_3] : memref<128x64xf32, #tpu.memory_space<vmem>>, vector<128x64xf32>
    %dot_general3A = arith.constant dense<0.000000e+00> : vector<2000x64xf32>
    %dot_general3A_5 = tpu.matmul %get3A_1, %get3A_4, %dot_general3A {dimension_numbers = #tpu.dot_dimension_numbers<[1], [0], [0], [1], [0, 0, 1, 1], [], []>, transpose_lhs_hint = false} : vector<2000x128xf32>, vector<128x64xf32>, vector<2000x64xf32> -> vector<2000x64xf32>
    %swap3A = arith.constant 0 : index
    %swap3A_6 = arith.constant 0 : index
    %swap3A_7 = vector.load %arg5[%swap3A, %swap3A_6] : memref<2000x64xf32, #tpu.memory_space<vmem>>, vector<2000x64xf32>
    tpu.vector_store %arg5[%swap3A, %swap3A_6], %dot_general3A_5 {strides = array<i32>} : memref<2000x64xf32, #tpu.memory_space<vmem>>, vector<2000x64xf32>,
    %get3A_8 = arith.constant 0 : index
    %get3A_9 = arith.constant 0 : index
    %get3A_10 = vector.load %arg3[%get3A_8, %get3A_9] : memref<128x64xf32, #tpu.memory_space<vmem>>, vector<128x64xf32>
    %dot_general3A_11 = arith.constant dense<0.000000e+00> : vector<2000x64xf32>
    %dot_general3A_12 = tpu.matmul %get3A_1, %get3A_10, %dot_general3A_11 {dimension_numbers = #tpu.dot_dimension_numbers<[1], [0], [0], [1], [0, 0, 1, 1], [], []>, transpose_lhs_hint = false} : vector<2000x128xf32>, vector<128x64xf32>, vector<2000x64xf32> -> vector<2000x64xf32>
    %get3A_13 = arith.constant 0 : index
    %get3A_14 = arith.constant 0 : index
    %get3A_15 = vector.load %arg4[%get3A_13, %get3A_14] : memref<1x64xf32, #tpu.memory_space<vmem>>, vector<1x64xf32>
    %add3A = vector.broadcast %get3A_15 : vector<1x64xf32> to vector<2000x64xf32>
    %add3A_16 = arith.addf %dot_general3A_12, %add3A : vector<2000x64xf32>
    %swap3A_17 = arith.constant 0 : index
    %swap3A_18 = arith.constant 0 : index
    %swap3A_19 = vector.load %arg6[%swap3A_17, %swap3A_18] : memref<2000x64xf32, #tpu.memory_space<vmem>>, vector<2000x64xf32>
    tpu.vector_store %arg6[%swap3A_17, %swap3A_18], %add3A_16 {strides = array<i32>} : memref<2000x64xf32, #tpu.memory_space<vmem>>, vector<2000x64xf32>,
    return
  }
  func.func @transform_0(%arg0: i32) -> (i32, i32) {
    %c0_i32 = arith.constant 0 : i32
    %c0_i32_0 = arith.constant 0 : i32
    return %arg0, %c0_i32 : i32, i32
  }
  func.func @transform_1(%arg0: i32) -> (i32, i32) {
    %c0_i32 = arith.constant 0 : i32
    %c0_i32_0 = arith.constant 0 : i32
    %c0_i32_1 = arith.constant 0 : i32
    return %c0_i32, %c0_i32_0 : i32, i32
  }
  func.func @transform_2(%arg0: i32) -> (i32, i32) {
    %c0_i32 = arith.constant 0 : i32
    %c0_i32_0 = arith.constant 0 : i32
    %c0_i32_1 = arith.constant 0 : i32
    return %c0_i32, %c0_i32_0 : i32, i32
  }
  func.func @transform_3(%arg0: i32) -> (i32, i32) {
    %c0_i32 = arith.constant 0 : i32
    %c0_i32_0 = arith.constant 0 : i32
    %c0_i32_1 = arith.constant 0 : i32
    return %c0_i32, %c0_i32_0 : i32, i32
  }
  func.func @transform_4(%arg0: i32) -> (i32, i32) {
    %c0_i32 = arith.constant 0 : i32
    %c0_i32_0 = arith.constant 0 : i32
    return %arg0, %c0_i32 : i32, i32
  }
  func.func @transform_5(%arg0: i32) -> (i32, i32) {
    %c0_i32 = arith.constant 0 : i32
    %c0_i32_0 = arith.constant 0 : i32
    return %arg0, %c0_i32 : i32, i32
  }
}

module attributes {stable_mosaic.version = 14 : i64} {
  func.func @_tcx_body(%arg0: memref<2x320000xi32, #tpu.memory_space<vmem>>, %arg1: memref<320000xi32, #tpu.memory_space<vmem>>, %arg2: memref<320000xi32, #tpu.memory_space<vmem>>) attributes {dimension_semantics = [], scalar_prefetch = 0 : i64, scratch_operands = 0 : i64, tpu.core_type = #tpu.core_type<tc>} {
    %get3A = arith.constant 0 : index
    %get3A_0 = arith.constant 0 : index
    %get3A_1 = vector.load %arg0[%get3A, %get3A_0] : memref<2x320000xi32, #tpu.memory_space<vmem>>, vector<2x320000xi32>
    %slice3A = vector.extract_strided_slice %get3A_1 {offsets = [0, 0], sizes = [1, 320000], strides = [1, 1]} : vector<2x320000xi32> to vector<1x320000xi32>
    %squeeze3A = vector.shape_cast %slice3A : vector<1x320000xi32> to vector<320000xi32>
    %swap3A = arith.constant 0 : index
    %swap3A_2 = vector.load %arg1[%swap3A] : memref<320000xi32, #tpu.memory_space<vmem>>, vector<320000xi32>
    tpu.vector_store %arg1[%swap3A], %squeeze3A {strides = array<i32>} : memref<320000xi32, #tpu.memory_space<vmem>>, vector<320000xi32>,
    %slice3A_3 = vector.extract_strided_slice %get3A_1 {offsets = [1, 0], sizes = [1, 320000], strides = [1, 1]} : vector<2x320000xi32> to vector<1x320000xi32>
    %squeeze3A_4 = vector.shape_cast %slice3A_3 : vector<1x320000xi32> to vector<320000xi32>
    %swap3A_5 = arith.constant 0 : index
    %swap3A_6 = vector.load %arg2[%swap3A_5] : memref<320000xi32, #tpu.memory_space<vmem>>, vector<320000xi32>
    tpu.vector_store %arg2[%swap3A_5], %squeeze3A_4 {strides = array<i32>} : memref<320000xi32, #tpu.memory_space<vmem>>, vector<320000xi32>,
    return
  }
}

module attributes {stable_mosaic.version = 14 : i64} {
  func.func @_tc2_body(%arg0: i32, %arg1: memref<2x2000x64xf32, #tpu.memory_space<vmem>>, %arg2: memref<2000x1xf32, #tpu.memory_space<vmem>>, %arg3: memref<2000x64xf32, #tpu.memory_space<vmem>>, %arg4: memref<64x2xf32, #tpu.memory_space<vmem>>, %arg5: memref<64x2xf32, #tpu.memory_space<vmem>>, %arg6: memref<1x2xf32, #tpu.memory_space<vmem>>, %arg7: memref<2000x2xf32, #tpu.memory_space<vmem>>, %arg8: memref<2000x2xf32, #tpu.memory_space<vmem>>) attributes {dimension_semantics = [#tpu.dimension_semantics<arbitrary>], iteration_bounds = array<i64: 5>, scalar_prefetch = 0 : i64, scratch_operands = 0 : i64, tpu.core_type = #tpu.core_type<tc>, window_params = [{transform_indices = @transform_0, window_bounds = array<i64: 2, 2000, 64>}, {transform_indices = @transform_1, window_bounds = array<i64: 2000, 1>}, {transform_indices = @transform_2, window_bounds = array<i64: 2000, 64>}, {pipeline_mode = #tpu.pipeline_mode<synchronous>, transform_indices = @transform_3, window_bounds = array<i64: 64, 2>}, {pipeline_mode = #tpu.pipeline_mode<synchronous>, transform_indices = @transform_4, window_bounds = array<i64: 64, 2>}, {pipeline_mode = #tpu.pipeline_mode<synchronous>, transform_indices = @transform_5, window_bounds = array<i64: 1, 2>}, {transform_indices = @transform_6, window_bounds = array<i64: 2000, 2>}, {transform_indices = @transform_7, window_bounds = array<i64: 2000, 2>}]} {
    %get3A = arith.constant 0 : index
    %get3A_0 = arith.constant 0 : index
    %get3A_1 = arith.constant 0 : index
    %get3A_2 = vector.load %arg1[%get3A, %get3A_0, %get3A_1] : memref<2x2000x64xf32, #tpu.memory_space<vmem>>, vector<2x2000x64xf32>
    %slice3A = vector.extract_strided_slice %get3A_2 {offsets = [0, 0, 0], sizes = [1, 2000, 64], strides = [1, 1, 1]} : vector<2x2000x64xf32> to vector<1x2000x64xf32>
    %squeeze3A = vector.shape_cast %slice3A : vector<1x2000x64xf32> to vector<2000x64xf32>
    %slice3A_3 = vector.extract_strided_slice %get3A_2 {offsets = [1, 0, 0], sizes = [1, 2000, 64], strides = [1, 1, 1]} : vector<2x2000x64xf32> to vector<1x2000x64xf32>
    %squeeze3A_4 = vector.shape_cast %slice3A_3 : vector<1x2000x64xf32> to vector<2000x64xf32>
    %add3A = arith.addf %squeeze3A, %squeeze3A_4 : vector<2000x64xf32>
    %get3A_5 = arith.constant 0 : index
    %get3A_6 = arith.constant 0 : index
    %get3A_7 = vector.load %arg2[%get3A_5, %get3A_6] : memref<2000x1xf32, #tpu.memory_space<vmem>>, vector<2000x1xf32>
    %max3A = arith.constant 1.000000e+00 : f32
    %max3A_8 = vector.broadcast %max3A : f32 to vector<2000x1xf32>
    %max3A_9 = arith.maximumf %get3A_7, %max3A_8 : vector<2000x1xf32>
    %div3A = vector.broadcast %max3A_9 : vector<2000x1xf32> to vector<2000x64xf32>
    %div3A_10 = arith.divf %add3A, %div3A : vector<2000x64xf32>
    %get3A_11 = arith.constant 0 : index
    %get3A_12 = arith.constant 0 : index
    %get3A_13 = vector.load %arg3[%get3A_11, %get3A_12] : memref<2000x64xf32, #tpu.memory_space<vmem>>, vector<2000x64xf32>
    %add3A_14 = arith.addf %div3A_10, %get3A_13 : vector<2000x64xf32>
    %max3A_15 = arith.constant 0.000000e+00 : f32
    %max3A_16 = vector.broadcast %max3A_15 : f32 to vector<2000x64xf32>
    %max3A_17 = arith.maximumf %add3A_14, %max3A_16 : vector<2000x64xf32>
    %get3A_18 = arith.constant 0 : index
    %get3A_19 = arith.constant 0 : index
    %get3A_20 = vector.load %arg4[%get3A_18, %get3A_19] : memref<64x2xf32, #tpu.memory_space<vmem>>, vector<64x2xf32>
    %dot_general3A = arith.constant dense<0.000000e+00> : vector<2000x2xf32>
    %dot_general3A_21 = tpu.matmul %max3A_17, %get3A_20, %dot_general3A {dimension_numbers = #tpu.dot_dimension_numbers<[1], [0], [0], [1], [0, 0, 1, 1], [], []>, transpose_lhs_hint = false} : vector<2000x64xf32>, vector<64x2xf32>, vector<2000x2xf32> -> vector<2000x2xf32>
    %swap3A = arith.constant 0 : index
    %swap3A_22 = arith.constant 0 : index
    %swap3A_23 = vector.load %arg7[%swap3A, %swap3A_22] : memref<2000x2xf32, #tpu.memory_space<vmem>>, vector<2000x2xf32>
    tpu.vector_store %arg7[%swap3A, %swap3A_22], %dot_general3A_21 {strides = array<i32>} : memref<2000x2xf32, #tpu.memory_space<vmem>>, vector<2000x2xf32>,
    %get3A_24 = arith.constant 0 : index
    %get3A_25 = arith.constant 0 : index
    %get3A_26 = vector.load %arg5[%get3A_24, %get3A_25] : memref<64x2xf32, #tpu.memory_space<vmem>>, vector<64x2xf32>
    %dot_general3A_27 = arith.constant dense<0.000000e+00> : vector<2000x2xf32>
    %dot_general3A_28 = tpu.matmul %max3A_17, %get3A_26, %dot_general3A_27 {dimension_numbers = #tpu.dot_dimension_numbers<[1], [0], [0], [1], [0, 0, 1, 1], [], []>, transpose_lhs_hint = false} : vector<2000x64xf32>, vector<64x2xf32>, vector<2000x2xf32> -> vector<2000x2xf32>
    %get3A_29 = arith.constant 0 : index
    %get3A_30 = arith.constant 0 : index
    %get3A_31 = vector.load %arg6[%get3A_29, %get3A_30] : memref<1x2xf32, #tpu.memory_space<vmem>>, vector<1x2xf32>
    %add3A_32 = vector.broadcast %get3A_31 : vector<1x2xf32> to vector<2000x2xf32>
    %add3A_33 = arith.addf %dot_general3A_28, %add3A_32 : vector<2000x2xf32>
    %swap3A_34 = arith.constant 0 : index
    %swap3A_35 = arith.constant 0 : index
    %swap3A_36 = vector.load %arg8[%swap3A_34, %swap3A_35] : memref<2000x2xf32, #tpu.memory_space<vmem>>, vector<2000x2xf32>
    tpu.vector_store %arg8[%swap3A_34, %swap3A_35], %add3A_33 {strides = array<i32>} : memref<2000x2xf32, #tpu.memory_space<vmem>>, vector<2000x2xf32>,
    return
  }
  func.func @transform_0(%arg0: i32) -> (i32, i32, i32) {
    %c0_i32 = arith.constant 0 : i32
    %c0_i32_0 = arith.constant 0 : i32
    %c0_i32_1 = arith.constant 0 : i32
    return %c0_i32, %arg0, %c0_i32_0 : i32, i32, i32
  }
  func.func @transform_1(%arg0: i32) -> (i32, i32) {
    %c0_i32 = arith.constant 0 : i32
    %c0_i32_0 = arith.constant 0 : i32
    return %arg0, %c0_i32 : i32, i32
  }
  func.func @transform_2(%arg0: i32) -> (i32, i32) {
    %c0_i32 = arith.constant 0 : i32
    %c0_i32_0 = arith.constant 0 : i32
    return %arg0, %c0_i32 : i32, i32
  }
  func.func @transform_3(%arg0: i32) -> (i32, i32) {
    %c0_i32 = arith.constant 0 : i32
    %c0_i32_0 = arith.constant 0 : i32
    %c0_i32_1 = arith.constant 0 : i32
    return %c0_i32, %c0_i32_0 : i32, i32
  }
  func.func @transform_4(%arg0: i32) -> (i32, i32) {
    %c0_i32 = arith.constant 0 : i32
    %c0_i32_0 = arith.constant 0 : i32
    %c0_i32_1 = arith.constant 0 : i32
    return %c0_i32, %c0_i32_0 : i32, i32
  }
  func.func @transform_5(%arg0: i32) -> (i32, i32) {
    %c0_i32 = arith.constant 0 : i32
    %c0_i32_0 = arith.constant 0 : i32
    %c0_i32_1 = arith.constant 0 : i32
    return %c0_i32, %c0_i32_0 : i32, i32
  }
  func.func @transform_6(%arg0: i32) -> (i32, i32) {
    %c0_i32 = arith.constant 0 : i32
    %c0_i32_0 = arith.constant 0 : i32
    return %arg0, %c0_i32 : i32, i32
  }
  func.func @transform_7(%arg0: i32) -> (i32, i32) {
    %c0_i32 = arith.constant 0 : i32
    %c0_i32_0 = arith.constant 0 : i32
    return %arg0, %c0_i32 : i32, i32
  }
}

</mosaic_0001>

<sc_bundles>
// kernel: kernel.10.cloned.1.call-start
scs
__scs_entry_jumppad:
0x0: {  	(pc) =	sbr.rel $0x88, $3  }
0x1: {  	(tag) =	ssettag $0x0;
	lr =	simm.s32 $0x1  }
0x2: {  	[smem:$0x3F99] =	sst lr;
	_ =	strace $0xD0000000  }
0x3: {  	_ = 	snop  }
0x4: {  	_ = 	snop  }
0x5: {  	_ = 	snop  }
0x6: {  	_ = 	snop  }
0x7: {  	_ = 	snop  }
__scs_overlays_trampoline_lowered:
0x8: {  	[smem:$0x3FA8] =	sst s0  }
0x9: {  	[smem:$0x3FA9] =	sst s1  }
0xa: {  	[smem:$0x3FAA] =	sst s2  }
0xb: {  	[smem:$0x3FAB] =	sst s3  }
0xc: {  	[smem:$0x3FAC] =	sst s4  }
0xd: {  	[smem:$0x3FAD] =	sst s5  }
0xe: {  	[smem:$0x3FAE] =	sst s6  }
0xf: {  	[smem:$0x3FAF] =	sst s7  }
0x10: {  	[smem:$0x3FB0] =	sst s8  }
0x11: {  	[smem:$0x3FB1] =	sst s9;
	s0 =	simm.s32 @!p0 $0x0  }
0x12: {  	s1 =	sld [smem:$0x3F97];
	s0 =	simm.s32 @p0 $0x1  }
0x13: {  	[smem:$0x3FB2] =	sst s0;
	s0 =	simm.s32 @!p1 $0x0  }
0x14: {  	s2 =	sld [smem:$0x3F96];
	s0 =	simm.s32 @p1 $0x1  }
0x15: {  	[smem:$0x3FB3] =	sst s0;
	s0 =	simm.s32 @!p2 $0x0  }
0x16: {  	s3 =	sld [smem:$0x3FDB];
	s0 =	simm.s32 @p2 $0x1  }
0x17: {  	s4 =	simm.s32 $0x1BF5;
	[smem:$0x3FB5] =	sst s0  }
0x18: {  	s0 =	sld [smem:$0x3F98];
	_ =	swait.ge [sflag:s4], $0x0  }
0x19: {  	s7 =	sld [smem:$0x3F99]  }
0x1a: {  	s8 =	sadd.s32 $0xFFFFE003, lr  }
0x1b: {  	s9 =	sadd.s32 $0xFFFFFEF7, lr;
	s5 =	simm.s32 $0xFFFFFFFF;
	p2 =	slt.u32 s8, $0xFFFFF086  }
0x1c: {  	p1 =	slt.u32 s9, $0xF7A;
	s5 =	simm.s32 @!p2 $0x0  }
0x1d: {  	s5 =	simm.s32 @p1 $0x1;
	p0 =	seq.s32 s7, s2  }
0x1e: {  	s7 =	smul.u32 @!p0 $0xF7A, s2;
	p2 =	seq.s32 @!p0 s5, $0x0  }
0x1f: {  	s9 =	smul.u32 $0xF7A, s1;
	s8 =	simm.s32 @!p0 $0x1BF5;
	p2 =	por !p2, p0  }
0x20: {  	[sflag:s8] =	ssyncset.s32 @!p0 $0xFFFFF086;
	s6 =	sadd.s32 @!p0 s3, s7;
	s7 =	simm.s32 @!p0 $0x108  }
0x21: {  	s3 =	sadd.s32 s3, s9;
	s6 =	sadd.s32 @!p0 $0x88, s6;
	s7 =	simm.s32 @p2 $0x1082  }
0x22: {  	[simem:s7], [sflag:s8] =	dma.local @!p0 [hbm:s6], $0xF7A  }
0x23: {  	s9 =	sor.u32 $0xD0000000, s2;
	s6 =	simm.s32 $0x108;
	_ =	swait.ge @!p0 [sflag:s8], $0x0  }
0x24: {  	s3 =	sadd.s32 $0x88, s3;
	s6 =	simm.s32 @!p1 $0x1082;
	[sflag:s4] =	ssyncset.s32 $0xFFFFF086  }
0x25: {  	[simem:s6], [sflag:s4] =	dma.local [hbm:s3], $0xF7A  }
0x26: {  	[smem:$0x3F99] =	sst s1;
	(tag) =	ssettag s2;
	_ =	strace s9  }
0x27: {  	s1 =	sld [smem:$0x3FA9]  }
0x28: {  	s2 =	sld [smem:$0x3FAA]  }
0x29: {  	s4 =	sld [smem:$0x3FAC]  }
0x2a: {  	p0 =	seq.s32 s5, $0x0;
	s5 =	sld [smem:$0x3FAD]  }
0x2b: {  	s6 =	sld [smem:$0x3FAE]  }
0x2c: {  	s7 =	sld [smem:$0x3FAF]  }
0x2d: {  	s3 =	simm.s32 $0x108;
	s8 =	sld [smem:$0x3FB0]  }
0x2e: {  	s3 =	simm.s32 @!p0 $0x1082;
	s9 =	sld [smem:$0x3FB1]  }
0x2f: {  	lr =	sadd.s32 s0, s3;
	s0 =	sld [smem:$0x3FA8]  }
0x30: {  	s3 =	sld [smem:$0x3FAB]  }
0x31: {  	[smem:$0x3FB4] =	sst s10  }
0x32: {  	s10 =	sld [smem:$0x3FB2];
	_ =	sdelay $0x3  }
0x33: {  	p0 =	seq.s32 s10, $0x1;
	s10 =	sld [smem:$0x3FB4];
	_ =	sdelay $0x3  }
0x34: {  	[smem:$0x3FB4] =	sst s10  }
0x35: {  	s10 =	sld [smem:$0x3FB3];
	_ =	sdelay $0x3  }
0x36: {  	p1 =	seq.s32 s10, $0x1;
	s10 =	sld [smem:$0x3FB4];
	_ =	sdelay $0x3  }
0x37: {  	[smem:$0x3FB4] =	sst s10  }
0x38: {  	s10 =	sld [smem:$0x3FB5]  }
0x39: {  	_ = 	snop;
	(pc) =	sbr.ind lr, $3  }
0x3a: {  	_ = 	snop  }
0x3b: {  	_ = 	snop  }
0x3c: {  	p2 =	seq.s32 s10, $0x1;
	s10 =	sld [smem:$0x3FB4]  }
0x3d: {  	_ =	shalt  }
0x3e: {  	_ =	shalt  }
0x3f: {  	_ =	shalt  }
0x40: {  	_ =	shalt  }
0x41: {  	_ =	shalt  }
0x42: {  	_ =	shalt  }
0x43: {  	_ =	shalt  }
0x44: {  	_ =	shalt  }
0x45: {  	_ =	shalt  }
0x46: {  	_ =	shalt  }
0x47: {  	_ =	shalt  }
0x48: {  	_ =	shalt  }
0x49: {  	_ =	shalt  }
0x4a: {  	_ =	shalt  }
0x4b: {  	_ =	shalt  }
0x4c: {  	_ =	shalt  }
0x4d: {  	_ =	shalt  }
0x4e: {  	_ =	shalt  }
0x4f: {  	_ =	shalt  }
0x50: {  	_ =	shalt  }
0x51: {  	_ =	shalt  }
0x52: {  	_ =	shalt  }
0x53: {  	_ =	shalt  }
0x54: {  	_ =	shalt  }
0x55: {  	_ =	shalt  }
0x56: {  	_ =	shalt  }
0x57: {  	_ =	shalt  }
0x58: {  	_ =	shalt  }
0x59: {  	_ =	shalt  }
0x5a: {  	_ =	shalt  }
0x5b: {  	_ =	shalt  }
0x5c: {  	_ =	shalt  }
0x5d: {  	_ =	shalt  }
0x5e: {  	_ =	shalt  }
0x5f: {  	_ =	shalt  }
0x60: {  	_ =	shalt  }
0x61: {  	_ =	shalt  }
0x62: {  	_ =	shalt  }
0x63: {  	_ =	shalt  }
0x64: {  	_ =	shalt  }
0x65: {  	_ =	shalt  }
0x66: {  	_ =	shalt  }
0x67: {  	_ =	shalt  }
0x68: {  	_ =	shalt  }
0x69: {  	_ =	shalt  }
0x6a: {  	_ =	shalt  }
0x6b: {  	_ =	shalt  }
0x6c: {  	_ =	shalt  }
0x6d: {  	_ =	shalt  }
0x6e: {  	_ =	shalt  }
0x6f: {  	_ =	shalt  }
0x70: {  	_ =	shalt  }
0x71: {  	_ =	shalt  }
0x72: {  	_ =	shalt  }
0x73: {  	_ =	shalt  }
0x74: {  	_ =	shalt  }
0x75: {  	_ =	shalt  }
0x76: {  	_ =	shalt  }
0x77: {  	_ =	shalt  }
0x78: {  	_ =	shalt  }
0x79: {  	_ =	shalt  }
0x7a: {  	_ =	shalt  }
0x7b: {  	_ =	shalt  }
0x7c: {  	_ =	shalt  }
0x7d: {  	_ =	shalt  }
0x7e: {  	_ =	shalt  }
0x7f: {  	_ =	shalt  }
0x80: {  	_ =	shalt  }
0x81: {  	_ =	shalt  }
0x82: {  	_ =	shalt  }
0x83: {  	_ =	shalt  }
0x84: {  	_ =	shalt  }
0x85: {  	_ =	shalt  }
0x86: {  	_ =	shalt  }
0x87: {  	_ =	shalt  }
.Lfunc_end0:
.L_simem_size_0:
called_computation.1_lowered:
.L_overlay_start_0:
0x88: {  	s2 =	sld [smem:$0x3FD9]  }
0x89: {  	s3 =	sld [smem:$0x3FFE];
	_ =	sdelay $0x1  }
0x8a: {  	s1 =	srdreg.scid  }
0x8b: {  	s0 =	sand.u32 $0x1, s1  }
0x8c: {  	s17 =	sshll.u32 s0, $0xA;
	s2 =	sadd.s32 s3, s2  }
0x8d: {  	s2 =	sadd.s32 s2, s17  }
0x8e: {  	[smem:$0x3FC0] =	sst s2  }
0x8f: {  	_ = 	snop  }
0x90: {  	s2 =	sld [smem:$0x3FD0];
	(tm) =	ssettm $0x1  }
0x91: {  	s18 =	sld [smem:$0x3FFB];
	_ =	sdelay $0x3  }
0x92: {  	_ =	strace s18  }
0x93: {  	s3 =	sld [smem:$0x3FFC];
	_ =	sdelay $0x3  }
0x94: {  	_ =	strace s3  }
0x95: {  	s3 =	sld [smem:$0x3FFD];
	_ =	sdelay $0x3  }
0x96: {  	_ =	strace s3  }
0x97: {  	_ =	strace $0x8FFFFFFF  }
0x98: {  	s19 =	sld [smem:$0x3FDB];
	_ =	sdelay $0x1  }
0x99: {  	s4 =	simm.s32 $_scs_section_size  }
0x9a: {  	s5 =	simm.s32 $_size__tile_overlayer_lowered;
	s6 =	simm.s32 $_tile_overlayer_lowered  }
0x9b: {  	s22 =	simm.s32 $0x1BFF;
	s21 =	sshll.u32 s6, $0x1;
	s3 =	sadd.s32 s4, s19  }
0x9c: {  	s7 =	simm.s32 $0x0;
	s20 =	sshll.u32 s5, $0x1;
	s5 =	sadd.s32 s21, s3  }
0x9d: {  	[timem:s7], [sflag:s22] =	dma.local [hbm:s5], s20  }
0x9e: {  	_ =	swait.ge [sflag:s22], s20  }
0x9f: {  	s4 =	ssub.s32 $0x0, s20;
	[sflag:s22] =	ssyncset.done $0x0  }
0xa0: {  	[sflag:s22] =	ssyncadd.s32 s4;
	_ =	sdelay $0x1  }
0xa1: {  	s23 =	simm.s32 $0x1B8B  }
0xa2: {  	_ =	swait.ge [sflag:s23], $0x1  }
0xa3: {  	[sflag:s23] =	ssyncset.done $0x0  }
0xa4: {  	s25 =	simm.s32 $0x1B8E;
	s24 =	sld [smem:$0x3FFE];
	[sflag:s23] =	ssyncadd.s32 $0xFFFFFFFF  }
0xa5: {  	s26 =	simm.s32 $execute0_lowered;
	[smem:$0x3FD2] =	sst s25  }
0xa6: {  	s5 =	sshll.u32 s26, $0x1;
	_ =	strace $0x80000049;
	[dreg:$0x1] =	wrdreg $0xFFFFFFFF  }
0xa7: {  	s28 =	simm.s32 $_size_execute0_lowered;
	s3 =	sadd.s32 s3, s5;
	[dreg:$0x0] =	wrdreg $0x0  }
0xa8: {  	s5 =	sshll.u32 s28, $0x1;
	[dreg:$0x2] =	wrdreg s3  }
0xa9: {  	[dreg:$0x3] =	wrdreg s5  }
0xaa: {  	[dreg:$0x4] =	wrdreg $0xC0  }
0xab: {  	_ =	task [dreg:s7], $0x5FFFF  }
0xac: {  	[dreg:$0x1] =	wrdreg $0xFFFFFFFF  }
0xad: {  	[dreg:$0x0] =	wrdreg $0x60  }
0xae: {  	[dreg:$0x2] =	wrdreg s24  }
0xaf: {  	[dreg:$0x3] =	wrdreg s2  }
0xb0: {  	[dreg:$0x4] =	wrdreg $0x142800  }
0xb1: {  	[dreg:$0x5] =	wrdreg $0x9  }
0xb2: {  	_ =	task.clear_ibuf [dreg:s7], $0x6FFFF;
	_ =	strace $0x90000049  }
0xb3: {  	s29 =	simm.s32 $0x9;
	_ =	strace $0x8000004B  }
0xb4: {  	_ =	swait.ge [sflag:s29], $0x1  }
0xb5: {  	[sflag:s29] =	ssyncadd.s32 $0xFFFFFFFF  }
0xb6: {  	_ =	strace $0x9000004B  }
0xb7: {  	_ =	sfence  }
0xb8: {  	s30 =	sld [smem:$0x0];
	_ =	sdelay $0x2  }
0xb9: {  	s31 =	sshll.u32 s1, $0xD;
	s1 =	sshrl.u32 s1, $0x2  }
0xba: {  	s3 =	sand.u32 $0x4000, s31;
	s1 =	sadd.s32 s1, s30  }
0xbb: {  	s0 =	sor.u32 s3, s0;
	s1 =	sshll.u32 s1, $0x11  }
0xbc: {  	s0 =	sor.u32 s1, s0  }
0xbd: {  	s0 =	sadd.s32 $0x8F2B, s0  }
0xbe: {  	[sflag:s0] =	ssyncadd.remote.s32 $0x1  }
0xbf: {  	_ =	sfence.sel $0xFFFF  }
0xc0: {  	[dreg:$0x0] =	wrdreg $0xFFFFFFFF;
	(pc) =	sbr.abs _section_cstart, $3  }
0xc1: {  	[dreg:$0x1] =	wrdreg $0xFFFFFFFF  }
0xc2: {  	_ =	task.clear_ibuf [dreg:s7], $0x2FFFF;
	_ =	strace $0x9FFFFFFF  }
0xc3: {  	(tm) =	ssettm $0x7FFFFFFF  }
tec
execute0_lowered:
.L_overlay_start_1:
0x0: {  	(tag) =	ssettag $0x1  }
0x1: {  	s0 =	rddreg [dreg:$0x0]  }
0x2: {  	s1 =	rddreg [dreg:$0x1]  }
0x3: {  	s11 =	rddreg [dreg:$0x2];
	s2 =	srdreg.scid  }
0x4: {  	s9 =	stileid.u32;
	s17 =	simm.s32 $0x1;
	s19 =	simm.s32 $0x9C40  }
0x5: {  	s20 =	simm.s32 $0xC440;
	s23 =	simm.s32 $0x13D80;
	s24 =	simm.s32 $0xEC40  }
0x6: {  	s25 =	simm.s32 $0x10040;
	s28 =	simm.s32 $0x2800;
	s29 =	simm.s32 $0x11440  }
0x7: {  	s30 =	simm.s32 $0x12840;
	s31 =	simm.s32 $0x14000;
	s12 =	smul.u32 $0x140, s9  }
0x8: {  	s5 =	sand.u32 $0x1, s2;
	s2 =	simm.s32 $0x0;
	s6 =	smul.u32 $0x9C4, s9  }
0x9: {  	s3 =	sadd.s32 $0x15E00, s0;
	s4 =	sadd.s32 $0x16400, s0;
	s10 =	smul.u32 $0xA000, s9  }
0xa: {  	s18 =	smul.u32 $0x1400, s5;
	[smem:$0x7FF] =	sst s2;
	s5 =	ssub.s32 $0x2, s5  }
0xb: {  	_ =	strace $0x8000004A;
	s6 =	sadd.s32 s6, s0;
	s8 =	sshrl.u32 s5, $0x1  }
0xc: {  	s26 =	sshrl.u32 s10, $0x2;
	s7 =	sadd.s32 s12, s18;
	s16 =	ssub.s32 s5, s8  }
0xd: {  	s5 =	sadd.s32 $0x1600, s6;
	s6 =	sadd.s32 $0xB400, s6;
	s21 =	sadd.s32 $0x1400, s18  }
0xe: {  	s10 =	sadd.s32 s26, s11;
	s11 =	sadd.s32 s12, s11;
	s26 =	simm.s32 $0x140  }
0xf: {  	s7 =	sshrl.u32 s7, $0x3;
	s12 =	sadd.s32 $0x1400, s10;
	s13 =	sadd.s32 $0x1400, s11  }
0x10: {  	s16 =	smax.u32 s16, $0x1;
	s0 =	sadd.s32 s7, s0;
	s7 =	sadd.s32 s1, s7  }
0x11: {  	s1 =	simm.s32 $0x0;
	s8 =	sadd.s32 $0x15800, s0;
	s9 =	sadd.s32 $0x15200, s0  }
0x12: {  	v2 =	vimm.f32 $0.0e+00;
	v0 =	vmov s18;
	v1 =	vmov s21;
	s14 =	sadd.s32 $0x16A00, s0;
	s15 =	sadd.s32 $0x17000, s0;
	s0 =	simm.s32 $0x14140  }
.LBB2_1:
0x13: {  	[tilespmem:s2], [sflag:$0x1] =	stream.linear.gather [hbm4b:s5+s2], $0x4E20, $0x38;
	[tilespmem:$0x16A80] =	vst v63  }
0x14: {  	_ =	swait.ge [sflag:s17], $0x4E20  }
0x15: {  	[sflag:s17] =	ssyncset.done $0x0  }
0x16: {  	s18 =	simm.s32 $0x4E20;
	[sflag:s17] =	ssyncadd.s32 $0xFFFFB1E0  }
0x17: {  	[tilespmem:s18], [sflag:$0x1] =	stream.linear.gather [hbm4b:s6+s2], $0x4E20, $0x38;
	[tilespmem:$0x16A80] =	vst v63  }
0x18: {  	_ =	swait.ge [sflag:s17], $0x4E20  }
0x19: {  	[sflag:s17] =	ssyncset.done $0x0  }
0x1a: {  	[sflag:s17] =	ssyncadd.s32 $0xFFFFB1E0  }
0x1b: {  	[tilespmem:s19], [sflag:$0x1] =	stream.linear.gather [hbm4b:s3+s2], $0x2800, $0x38;
	[tilespmem:$0x16A80] =	vst v63  }
0x1c: {  	_ =	swait.ge [sflag:s17], $0x2800  }
0x1d: {  	[sflag:s17] =	ssyncset.done $0x0  }
0x1e: {  	[sflag:s17] =	ssyncadd.s32 $0xFFFFD800  }
0x1f: {  	[tilespmem:s20], [sflag:$0x1] =	stream.linear.gather [hbm4b:s4+s2], $0x2800, $0x38;
	[tilespmem:$0x16A80] =	vst v63  }
0x20: {  	_ =	swait.ge [sflag:s17], $0x2800  }
0x21: {  	[sflag:s17] =	ssyncset.done $0x0  }
0x22: {  	s21 =	simm.s32 $0x13EC0;
	[sflag:s17] =	ssyncadd.s32 $0xFFFFD800  }
0x23: {  	[tilespmem:s21], [sflag:$0x1] =	stream.linear.gather [hbm4b:s7+s2], $0x140, $0x38;
	[tilespmem:$0x16A80] =	vst v63  }
0x24: {  	_ =	swait.ge [sflag:s17], $0x140  }
0x25: {  	[sflag:s17] =	ssyncset.done $0x0  }
0x26: {  	s22 =	simm.s32 $0x13C40;
	[sflag:s17] =	ssyncadd.s32 $0xFFFFFEC0  }
0x27: {  	[tilespmem:s22], [sflag:$0x1] =	stream.linear.gather [hbm4b:s8+s2], $0x140, $0x38;
	[tilespmem:$0x16A80] =	vst v63  }
0x28: {  	_ =	swait.ge [sflag:s17], $0x140  }
0x29: {  	[sflag:s17] =	ssyncset.done $0x0  }
0x2a: {  	[sflag:s17] =	ssyncadd.s32 $0xFFFFFEC0  }
0x2b: {  	[tilespmem:s23], [sflag:$0x1] =	stream.linear.gather [hbm4b:s9+s2], $0x140, $0x38;
	[tilespmem:$0x16A80] =	vst v63  }
0x2c: {  	_ =	swait.ge [sflag:s17], $0x140  }
0x2d: {  	[sflag:s17] =	ssyncset.done $0x0  }
0x2e: {  	s18 =	simm.s32 $0x0;
	[sflag:s17] =	ssyncadd.s32 $0xFFFFFEC0  }
.LBB2_2:
0x2f: {  	p0 =	sne.s32 s18, $0x4FC0  }
.Ltmp0:
0x30: {  	_ = 	snop;
	(pc) =	sbr.rel @p0 .LBB2_2-.Ltmp0, $4  }
0x31: {  	_ = 	snop  }
0x32: {  	s21 =	sshra.s32 s18, $0x2  }
0x33: {  	[tilespmem:s21+$0xEC40] =	vst v2  }
0x34: {  	s18 =	sadd.s32 $0x40, s18;
	[tilespmem:s21+$0x10040] =	vst v2  }
0x35: {  	s21 =	simm.s32 $0x0  }
0x36: {  	s18 =	simm.s32 $0x40;
	v3 =	vld [tilespmem:s21+$0x0]  }
.LBB2_4:
0x37: {  	p0 =	sne.s32 s18, $0x13840  }
0x38: {  	v4 =	vld [tilespmem:s21+$0x4E20];
	_ =	sdelay $0x4  }
0x39: {  	vm0 =	vge.s32 v4, v0;
	vm1 =	vlt.s32 v4, v1  }
0x3a: {  	v4 =	vsub.s32 v4, v0;
	vm0 =	vmand vm0, vm1;
	v5 =	vld.idx.msk [tilespmem:v3+s19+$0x0], $0xffff  }
0x3b: {  	v4 =	vnsel vm0, $0x0, v4;
	v3 =	vld.idx.msk [tilespmem:v3+s20+$0x0], $0xffff;
	_ =	sdelay $0x2  }
.Ltmp1:
0x3c: {  	(pc) =	sbr.rel @p0 .LBB2_4-.Ltmp1, $4  }
0x3d: {  	_ = 	snop  }
0x3e: {  	[tilespmem:v4+s24+$0x0] =	vst.idx.add.f32.msk vm0, v5  }
0x3f: {  	s21 =	sshra.s32 s18, $0x2;
	[tilespmem:v4+s25+$0x0] =	vst.idx.add.f32.msk vm0, v3  }
0x40: {  	s18 =	sadd.s32 $0x40, s18;
	v3 =	vld [tilespmem:s21+$0x0]  }
0x41: {  	_ = 	snop  }
0x42: {  	v4 =	vld [tilespmem:s21+$0x4E20];
	_ =	sdelay $0x4  }
0x43: {  	vm0 =	vge.s32 v4, v0;
	vm1 =	vlt.s32 v4, v1  }
0x44: {  	v4 =	vsub.s32 v4, v0;
	vm0 =	vmand vm0, vm1  }
0x45: {  	v5 =	vld.idx.msk [tilespmem:v3+s19+$0x0], $0xffff;
	v4 =	vnsel vm0, $0x0, v4  }
0x46: {  	v3 =	vld.idx.msk [tilespmem:v3+s20+$0x0], $0xffff;
	_ =	sdelay $0x3  }
0x47: {  	[tilespmem:v4+s24+$0x0] =	vst.idx.add.f32.msk vm0, v5  }
0x48: {  	[tilespmem:v4+s25+$0x0] =	vst.idx.add.f32.msk vm0, v3  }
0x49: {  	[spmem:s10] =	stream.linear.scatter [tilespmem:s24], [sflag:$0x1], $0x1400, $0x38;
	[tilespmem:$0x16A80] =	vst v63  }
0x4a: {  	_ =	swait.ge [sflag:s17], $0x1400  }
0x4b: {  	[sflag:s17] =	ssyncset.done $0x0  }
0x4c: {  	[sflag:s17] =	ssyncadd.s32 $0xFFFFEC00  }
0x4d: {  	[spmem:s12] =	stream.linear.scatter [tilespmem:s25], [sflag:$0x1], $0x1400, $0x38;
	[tilespmem:$0x16A80] =	vst v63  }
0x4e: {  	_ =	swait.ge [sflag:s17], $0x1400  }
0x4f: {  	[sflag:s17] =	ssyncset.done $0x0  }
0x50: {  	[sflag:s17] =	ssyncadd.s32 $0xFFFFEC00  }
0x51: {  	[bflag:$0x0] =	sbarrier.arrive $0xFFFF  }
0x52: {  	[tilespmem:s29], [sflag:$0x1] =	stream.strided.gather [spmem:s11], $0x1400, s28, s26, $0x38;
	[tilespmem:$0x16A80] =	vst v63  }
0x53: {  	_ =	swait.ge [sflag:s17], $0x1400  }
0x54: {  	[sflag:s17] =	ssyncset.done $0x0  }
0x55: {  	[sflag:s17] =	ssyncadd.s32 $0xFFFFEC00  }
0x56: {  	[tilespmem:s30], [sflag:$0x1] =	stream.strided.gather [spmem:s13], $0x1400, s28, s26, $0x38;
	[tilespmem:$0x16A80] =	vst v63  }
0x57: {  	_ =	swait.ge [sflag:s17], $0x1400  }
0x58: {  	[sflag:s17] =	ssyncset.done $0x0  }
0x59: {  	s18 =	simm.s32 $0x0;
	[sflag:s17] =	ssyncadd.s32 $0xFFFFEC00  }
0x5a: {  	v3 =	vld [tilespmem:s18+$0x12840]  }
0x5b: {  	v4 =	vld [tilespmem:s18+$0x12980]  }
0x5c: {  	v5 =	vld [tilespmem:s18+$0x11440]  }
0x5d: {  	v6 =	vld [tilespmem:s18+$0x12AC0]  }
0x5e: {  	v7 =	vld [tilespmem:s18+$0x11580]  }
0x5f: {  	v8 =	vld [tilespmem:s18+$0x12C00]  }
0x60: {  	v9 =	vld [tilespmem:s18+$0x116C0]  }
0x61: {  	v10 =	vld [tilespmem:s18+$0x11800];
	v3 =	vadd.f32 v4, v3  }
0x62: {  	v4 =	vld [tilespmem:s18+$0x12D40]  }
0x63: {  	v11 =	vld [tilespmem:s18+$0x11940];
	v3 =	vadd.f32 v6, v3  }
0x64: {  	v5 =	vadd.f32 v7, v5;
	v6 =	vld [tilespmem:s18+$0x12E80]  }
0x65: {  	v7 =	vld [tilespmem:s18+$0x12FC0];
	v3 =	vadd.f32 v8, v3  }
0x66: {  	v5 =	vadd.f32 v9, v5;
	v9 =	vld [tilespmem:s18+$0x11BC0]  }
0x67: {  	v8 =	vld [tilespmem:s18+$0x11A80];
	v3 =	vadd.f32 v4, v3  }
0x68: {  	v4 =	vld [tilespmem:s18+$0x13100]  }
0x69: {  	v5 =	vadd.f32 v10, v5;
	v10 =	vld [tilespmem:s18+$0x11D00];
	v3 =	vadd.f32 v6, v3  }
0x6a: {  	v6 =	vld [tilespmem:s18+$0x13240]  }
0x6b: {  	v5 =	vadd.f32 v11, v5;
	v11 =	vld [tilespmem:s18+$0x11E40];
	v3 =	vadd.f32 v7, v3  }
0x6c: {  	v7 =	vld [tilespmem:s18+$0x13380]  }
0x6d: {  	v5 =	vadd.f32 v8, v5;
	v8 =	vld [tilespmem:s18+$0x13600];
	v3 =	vadd.f32 v4, v3  }
0x6e: {  	v4 =	vld [tilespmem:s18+$0x134C0]  }
0x6f: {  	v5 =	vadd.f32 v9, v5;
	v9 =	vld [tilespmem:s18+$0x11F80];
	v3 =	vadd.f32 v6, v3  }
0x70: {  	v6 =	vld [tilespmem:s18+$0x13EC0]  }
0x71: {  	v5 =	vadd.f32 v10, v5;
	v10 =	vld [tilespmem:s18+$0x120C0];
	v3 =	vadd.f32 v7, v3  }
0x72: {  	v7 =	vld [tilespmem:s18+$0x13740]  }
0x73: {  	v5 =	vadd.f32 v11, v5;
	v11 =	vld [tilespmem:s18+$0x12200];
	v3 =	vadd.f32 v4, v3  }
0x74: {  	v4 =	vld [tilespmem:s18+$0x13880]  }
0x75: {  	v5 =	vadd.f32 v9, v5;
	v9 =	vld [tilespmem:s18+$0x12340];
	(erf) = vrcp.f32 v6;
	v3 =	vadd.f32 v8, v3  }
0x76: {  	v8 =	vld [tilespmem:s18+$0x139C0]  }
0x77: {  	v5 =	vadd.f32 v10, v5;
	v3 =	vadd.f32 v7, v3  }
0x78: {  	v7 =	vld [tilespmem:s18+$0x13B00]  }
0x79: {  	v10 =	vld [tilespmem:s18+$0x12480];
	v5 =	vadd.f32 v11, v5;
	v3 =	vadd.f32 v4, v3  }
0x7a: {  	s21 =	simm.s32 $0x10;
	v6 =	vld [tilespmem:s18+$0x125C0]  }
0x7b: {  	v12 =	vadd.f32 v9, v5;
	v5 =	vld [tilespmem:s21+$0x12840];
	v11 =	vadd.f32 v8, v3  }
0x7c: {  	v8 =	vld [tilespmem:s18+$0x13D80]  }
0x7d: {  	v4 =	vld [tilespmem:s18+$0x12700];
	v9 =	vadd.f32 v7, v11  }
0x7e: {  	s22 =	simm.s32 $0x80;
	v10 =	vadd.f32 v10, v12;
	v3 =	vld [tilespmem:s18+$0x13C40];
	v7 =	vpop (erf)  }
.LBB2_6:
0x7f: {  	p0 =	sne.s32 s22, $0x4C0;
	v11 =	vld [tilespmem:s21+$0x12980];
	v9 =	vmul.f32 v7, v9  }
0x80: {  	v12 =	vld [tilespmem:s21+$0x11440];
	v6 =	vadd.f32 v6, v10  }
0x81: {  	v10 =	vld [tilespmem:s21+$0x12AC0];
	v8 =	vadd.f32 v8, v9  }
0x82: {  	v9 =	vld [tilespmem:s21+$0x11580];
	v4 =	vadd.f32 v4, v6  }
0x83: {  	v6 =	vld [tilespmem:s21+$0x12C00];
	[tilespmem:s18+$0x14140] =	vst v8  }
0x84: {  	v5 =	vadd.f32 v11, v5;
	v8 =	vld [tilespmem:s21+$0x116C0];
	v4 =	vmul.f32 v7, v4  }
0x85: {  	v7 =	vld [tilespmem:s21+$0x12D40]  }
0x86: {  	v5 =	vadd.f32 v10, v5;
	v10 =	vld [tilespmem:s21+$0x11800];
	v3 =	vadd.f32 v4, v3  }
0x87: {  	v4 =	vadd.f32 v9, v12;
	v9 =	vld [tilespmem:s21+$0x12E80]  }
0x88: {  	v5 =	vadd.f32 v6, v5;
	v6 =	vld [tilespmem:s21+$0x11940];
	[tilespmem:s18+$0x14000] =	vst v3;
	s18 =	smov.u32 s21  }
0x89: {  	v3 =	vadd.f32 v8, v4;
	v4 =	vld [tilespmem:s18+$0x12FC0]  }
0x8a: {  	v5 =	vadd.f32 v7, v5;
	v7 =	vld [tilespmem:s18+$0x11A80]  }
0x8b: {  	v3 =	vadd.f32 v10, v3;
	v8 =	vld [tilespmem:s18+$0x13100]  }
0x8c: {  	v5 =	vadd.f32 v9, v5;
	v9 =	vld [tilespmem:s18+$0x11BC0]  }
0x8d: {  	v3 =	vadd.f32 v6, v3;
	v6 =	vld [tilespmem:s18+$0x13240]  }
0x8e: {  	v4 =	vadd.f32 v4, v5;
	v5 =	vld [tilespmem:s18+$0x11D00]  }
0x8f: {  	v3 =	vadd.f32 v7, v3;
	v7 =	vld [tilespmem:s18+$0x13380]  }
0x90: {  	v4 =	vadd.f32 v8, v4;
	v8 =	vld [tilespmem:s18+$0x11E40]  }
0x91: {  	v3 =	vadd.f32 v9, v3;
	v9 =	vld [tilespmem:s18+$0x134C0]  }
0x92: {  	v4 =	vadd.f32 v6, v4;
	v6 =	vld [tilespmem:s18+$0x13600]  }
0x93: {  	v3 =	vadd.f32 v5, v3;
	v5 =	vld [tilespmem:s18+$0x13EC0]  }
0x94: {  	v10 =	vld [tilespmem:s18+$0x11F80];
	v4 =	vadd.f32 v7, v4  }
0x95: {  	v3 =	vadd.f32 v8, v3;
	v7 =	vld [tilespmem:s18+$0x13740]  }
0x96: {  	v8 =	vld [tilespmem:s18+$0x120C0];
	v4 =	vadd.f32 v9, v4  }
0x97: {  	v9 =	vld [tilespmem:s18+$0x13880]  }
0x98: {  	v11 =	vld [tilespmem:s18+$0x12200];
	v4 =	vadd.f32 v6, v4;
	(erf) = vrcp.f32 v5  }
0x99: {  	v3 =	vadd.f32 v10, v3;
	v5 =	vld [tilespmem:s18+$0x139C0]  }
0x9a: {  	v10 =	vld [tilespmem:s18+$0x12340];
	v4 =	vadd.f32 v7, v4  }
0x9b: {  	v3 =	vadd.f32 v8, v3;
	v7 =	vld [tilespmem:s18+$0x13B00]  }
0x9c: {  	v12 =	vld [tilespmem:s18+$0x12480];
	v4 =	vadd.f32 v9, v4  }
.Ltmp2:
0x9d: {  	v3 =	vadd.f32 v11, v3;
	v6 =	vld [tilespmem:s18+$0x125C0];
	(pc) =	sbr.rel @p0 .LBB2_6-.Ltmp2, $4  }
0x9e: {  	v5 =	vadd.f32 v5, v4;
	v4 =	vld [tilespmem:s18+$0x12700]  }
0x9f: {  	v10 =	vadd.f32 v10, v3;
	v8 =	vld [tilespmem:s18+$0x13D80]  }
0xa0: {  	s21 =	sshra.s32 s22, $0x2;
	v9 =	vadd.f32 v7, v5;
	v3 =	vld [tilespmem:s18+$0x13C40]  }
0xa1: {  	s22 =	sadd.s32 $0x40, s22;
	v5 =	vld [tilespmem:s21+$0x12840];
	v10 =	vadd.f32 v12, v10;
	v7 =	vpop (erf)  }
0xa2: {  	v11 =	vld [tilespmem:s21+$0x12980];
	v9 =	vmul.f32 v7, v9  }
0xa3: {  	v12 =	vld [tilespmem:s21+$0x11440];
	v6 =	vadd.f32 v6, v10  }
0xa4: {  	v13 =	vld [tilespmem:s21+$0x12AC0];
	v8 =	vadd.f32 v8, v9  }
0xa5: {  	v33 =	vld [tilespmem:s21+$0x11580];
	v4 =	vadd.f32 v4, v6  }
0xa6: {  	v34 =	vld [tilespmem:s21+$0x12C00];
	[tilespmem:s18+$0x14140] =	vst v8  }
0xa7: {  	v35 =	vld [tilespmem:s21+$0x116C0];
	v4 =	vmul.f32 v7, v4  }
0xa8: {  	v36 =	vld [tilespmem:s21+$0x12D40]  }
0xa9: {  	v8 =	vld [tilespmem:s21+$0x11800];
	v5 =	vadd.f32 v11, v5;
	v3 =	vadd.f32 v4, v3  }
0xaa: {  	v37 =	vld [tilespmem:s21+$0x12E80];
	v9 =	vadd.f32 v33, v12  }
0xab: {  	v38 =	vld [tilespmem:s21+$0x11940];
	v5 =	vadd.f32 v13, v5;
	[tilespmem:s18+$0x14000] =	vst v3  }
0xac: {  	v3 =	vadd.f32 v35, v9;
	v39 =	vld [tilespmem:s21+$0x12FC0]  }
0xad: {  	v5 =	vadd.f32 v34, v5;
	v40 =	vld [tilespmem:s21+$0x11A80]  }
0xae: {  	v41 =	vld [tilespmem:s21+$0x13100];
	v3 =	vadd.f32 v8, v3  }
0xaf: {  	v42 =	vld [tilespmem:s21+$0x11BC0];
	v5 =	vadd.f32 v36, v5  }
0xb0: {  	v43 =	vld [tilespmem:s21+$0x13240];
	v3 =	vadd.f32 v38, v3  }
0xb1: {  	v44 =	vld [tilespmem:s21+$0x11D00];
	v4 =	vadd.f32 v37, v5  }
0xb2: {  	v45 =	vld [tilespmem:s21+$0x13380];
	v3 =	vadd.f32 v40, v3  }
0xb3: {  	v46 =	vld [tilespmem:s21+$0x11E40];
	v4 =	vadd.f32 v39, v4  }
0xb4: {  	v47 =	vld [tilespmem:s21+$0x134C0];
	v3 =	vadd.f32 v42, v3  }
0xb5: {  	v48 =	vld [tilespmem:s21+$0x11F80];
	v4 =	vadd.f32 v41, v4  }
0xb6: {  	v49 =	vld [tilespmem:s21+$0x13600];
	v3 =	vadd.f32 v44, v3  }
0xb7: {  	v50 =	vld [tilespmem:s21+$0x120C0];
	v4 =	vadd.f32 v43, v4  }
0xb8: {  	v51 =	vld [tilespmem:s21+$0x13EC0];
	v3 =	vadd.f32 v46, v3  }
0xb9: {  	v52 =	vld [tilespmem:s21+$0x12200];
	v4 =	vadd.f32 v45, v4  }
0xba: {  	v53 =	vld [tilespmem:s21+$0x13740];
	v3 =	vadd.f32 v48, v3  }
0xbb: {  	v54 =	vld [tilespmem:s21+$0x12340];
	v4 =	vadd.f32 v47, v4  }
0xbc: {  	v55 =	vld [tilespmem:s21+$0x13880];
	v3 =	vadd.f32 v50, v3  }
0xbd: {  	v56 =	vld [tilespmem:s21+$0x12480];
	(erf) = vrcp.f32 v51;
	v4 =	vadd.f32 v49, v4  }
0xbe: {  	v57 =	vld [tilespmem:s21+$0x139C0];
	v3 =	vadd.f32 v52, v3  }
0xbf: {  	v58 =	vld [tilespmem:s21+$0x125C0];
	v4 =	vadd.f32 v53, v4  }
0xc0: {  	v59 =	vld [tilespmem:s21+$0x13B00];
	v3 =	vadd.f32 v54, v3  }
0xc1: {  	v60 =	vld [tilespmem:s21+$0x12700];
	v4 =	vadd.f32 v55, v4  }
0xc2: {  	v3 =	vadd.f32 v56, v3  }
0xc3: {  	v4 =	vadd.f32 v57, v4  }
0xc4: {  	v61 =	vld [tilespmem:s21+$0x13D80];
	v3 =	vadd.f32 v58, v3  }
0xc5: {  	v62 =	vld [tilespmem:s21+$0x13C40];
	v4 =	vadd.f32 v59, v4  }
0xc6: {  	v63 =	vpop (erf);
	v3 =	vadd.f32 v60, v3  }
0xc7: {  	v4 =	vmul.f32 v63, v4  }
0xc8: {  	v3 =	vmul.f32 v63, v3  }
0xc9: {  	v4 =	vadd.f32 v61, v4  }
0xca: {  	v3 =	vadd.f32 v3, v62  }
0xcb: {  	[tilespmem:s21+$0x14140] =	vst v4  }
0xcc: {  	[tilespmem:s21+$0x14000] =	vst v3  }
0xcd: {  	[hbm4b:s14+s2] =	stream.linear.scatter [tilespmem:s31], [sflag:$0x1], $0x140, $0x38;
	[tilespmem:$0x16A80] =	vst v63  }
0xce: {  	s1 =	sadd.s32 $0x1, s1;
	_ =	swait.ge [sflag:s17], $0x140  }
0xcf: {  	p0 =	sne.s32 s1, s16;
	[sflag:s17] =	ssyncset.done $0x0  }
.Ltmp3:
0xd0: {  	[sflag:s17] =	ssyncadd.s32 $0xFFFFFEC0;
	(pc) =	sbr.rel @p0 .LBB2_1-.Ltmp3, $4  }
0xd1: {  	[hbm4b:s15+s2] =	stream.linear.scatter [tilespmem:s0], [sflag:$0x1], $0x140, $0x38;
	[tilespmem:$0x16A80] =	vst v63  }
0xd2: {  	_ =	swait.ge [sflag:s17], $0x140  }
0xd3: {  	[sflag:s17] =	ssyncset.done $0x0  }
0xd4: {  	[sflag:s17] =	ssyncadd.s32 $0xFFFFFEC0  }
0xd5: {  	_ =	sfence.sel $0x180000  }
0xd6: {  	[bflag:$0x0] =	sbarrier.arrive $0xFFFF  }
0xd7: {  	_ =	strace $0x9000004A  }
0xd8: {  	s0 =	stileid.u32;
	[bflag:$0x2] =	sbarrier.arrive $0xFFFF  }
0xd9: {  	p0 =	sne.s32 s0, $0x0;
	s0 =	rddreg [dreg:$0x3]  }
0xda: {  	s0 =	sadd.s32 @!p0 $0x100000, s0  }
0xdb: {  	[sflag:s0] =	ssyncadd.tile.s32 @!p0 $0x1;
	_ =	shalt  }
.Lfunc_end2:
_tile_overlayer_lowered:
.L_overlay_start_2:
0xdc: {  	(tag) =	ssettag $0x2  }
0xdd: {  	s0 =	rddreg [dreg:$0x0];
	s2 =	stileid.u32  }
0xde: {  	s1 =	rddreg [dreg:$0x1];
	p0 =	sne.s32 s2, $0x0  }
0xdf: {  	s3 =	rddreg [dreg:$0x2];
	[bflag:$0x3] =	sbarrier.arrive $0xFFFF;
	s2 =	simm.s32 @!p0 $0x1C01  }
0xe0: {  	[timem:s3], [sflag:s2] =	dma.local @!p0 [hbm:s0], s1  }
0xe1: {  	s0 =	simm.s32 @!p0 $0x1  }
0xe2: {  	_ =	swait.ge @!p0 [sflag:s0], s1  }
0xe3: {  	s1 =	ssub.s32 @!p0 $0x0, s1;
	[sflag:s0] =	ssyncset.done @!p0 $0x0  }
0xe4: {  	[sflag:s0] =	ssyncadd.s32 @!p0 s1  }
0xe5: {  	[bflag:$0x3] =	sbarrier.arrive $0xFFFF  }
0xe6: {  	_ =	shalt  }

// kernel: kernel.7.cloned.1.call-start
scs
__scs_entry_jumppad:
0x0: {  	(pc) =	sbr.rel $0x88, $3  }
0x1: {  	(tag) =	ssettag $0x0;
	lr =	simm.s32 $0x1  }
0x2: {  	[smem:$0x3F99] =	sst lr;
	_ =	strace $0xD0000000  }
0x3: {  	_ = 	snop  }
0x4: {  	_ = 	snop  }
0x5: {  	_ = 	snop  }
0x6: {  	_ = 	snop  }
0x7: {  	_ = 	snop  }
__scs_overlays_trampoline_lowered:
0x8: {  	[smem:$0x3FA8] =	sst s0  }
0x9: {  	[smem:$0x3FA9] =	sst s1  }
0xa: {  	[smem:$0x3FAA] =	sst s2  }
0xb: {  	[smem:$0x3FAB] =	sst s3  }
0xc: {  	[smem:$0x3FAC] =	sst s4  }
0xd: {  	[smem:$0x3FAD] =	sst s5  }
0xe: {  	[smem:$0x3FAE] =	sst s6  }
0xf: {  	[smem:$0x3FAF] =	sst s7  }
0x10: {  	[smem:$0x3FB0] =	sst s8  }
0x11: {  	[smem:$0x3FB1] =	sst s9;
	s0 =	simm.s32 @!p0 $0x0  }
0x12: {  	s1 =	sld [smem:$0x3F97];
	s0 =	simm.s32 @p0 $0x1  }
0x13: {  	[smem:$0x3FB2] =	sst s0;
	s0 =	simm.s32 @!p1 $0x0  }
0x14: {  	s2 =	sld [smem:$0x3F96];
	s0 =	simm.s32 @p1 $0x1  }
0x15: {  	[smem:$0x3FB3] =	sst s0;
	s0 =	simm.s32 @!p2 $0x0  }
0x16: {  	s3 =	sld [smem:$0x3FDB];
	s0 =	simm.s32 @p2 $0x1  }
0x17: {  	s4 =	simm.s32 $0x1BF5;
	[smem:$0x3FB5] =	sst s0  }
0x18: {  	s0 =	sld [smem:$0x3F98];
	_ =	swait.ge [sflag:s4], $0x0  }
0x19: {  	s7 =	sld [smem:$0x3F99]  }
0x1a: {  	s8 =	sadd.s32 $0xFFFFE003, lr  }
0x1b: {  	s9 =	sadd.s32 $0xFFFFFEF7, lr;
	s5 =	simm.s32 $0xFFFFFFFF;
	p2 =	slt.u32 s8, $0xFFFFF086  }
0x1c: {  	p1 =	slt.u32 s9, $0xF7A;
	s5 =	simm.s32 @!p2 $0x0  }
0x1d: {  	s5 =	simm.s32 @p1 $0x1;
	p0 =	seq.s32 s7, s2  }
0x1e: {  	s7 =	smul.u32 @!p0 $0xF7A, s2;
	p2 =	seq.s32 @!p0 s5, $0x0  }
0x1f: {  	s9 =	smul.u32 $0xF7A, s1;
	s8 =	simm.s32 @!p0 $0x1BF5;
	p2 =	por !p2, p0  }
0x20: {  	[sflag:s8] =	ssyncset.s32 @!p0 $0xFFFFF086;
	s6 =	sadd.s32 @!p0 s3, s7;
	s7 =	simm.s32 @!p0 $0x108  }
0x21: {  	s3 =	sadd.s32 s3, s9;
	s6 =	sadd.s32 @!p0 $0x88, s6;
	s7 =	simm.s32 @p2 $0x1082  }
0x22: {  	[simem:s7], [sflag:s8] =	dma.local @!p0 [hbm:s6], $0xF7A  }
0x23: {  	s9 =	sor.u32 $0xD0000000, s2;
	s6 =	simm.s32 $0x108;
	_ =	swait.ge @!p0 [sflag:s8], $0x0  }
0x24: {  	s3 =	sadd.s32 $0x88, s3;
	s6 =	simm.s32 @!p1 $0x1082;
	[sflag:s4] =	ssyncset.s32 $0xFFFFF086  }
0x25: {  	[simem:s6], [sflag:s4] =	dma.local [hbm:s3], $0xF7A  }
0x26: {  	[smem:$0x3F99] =	sst s1;
	(tag) =	ssettag s2;
	_ =	strace s9  }
0x27: {  	s1 =	sld [smem:$0x3FA9]  }
0x28: {  	s2 =	sld [smem:$0x3FAA]  }
0x29: {  	s4 =	sld [smem:$0x3FAC]  }
0x2a: {  	p0 =	seq.s32 s5, $0x0;
	s5 =	sld [smem:$0x3FAD]  }
0x2b: {  	s6 =	sld [smem:$0x3FAE]  }
0x2c: {  	s7 =	sld [smem:$0x3FAF]  }
0x2d: {  	s3 =	simm.s32 $0x108;
	s8 =	sld [smem:$0x3FB0]  }
0x2e: {  	s3 =	simm.s32 @!p0 $0x1082;
	s9 =	sld [smem:$0x3FB1]  }
0x2f: {  	lr =	sadd.s32 s0, s3;
	s0 =	sld [smem:$0x3FA8]  }
0x30: {  	s3 =	sld [smem:$0x3FAB]  }
0x31: {  	[smem:$0x3FB4] =	sst s10  }
0x32: {  	s10 =	sld [smem:$0x3FB2];
	_ =	sdelay $0x3  }
0x33: {  	p0 =	seq.s32 s10, $0x1;
	s10 =	sld [smem:$0x3FB4];
	_ =	sdelay $0x3  }
0x34: {  	[smem:$0x3FB4] =	sst s10  }
0x35: {  	s10 =	sld [smem:$0x3FB3];
	_ =	sdelay $0x3  }
0x36: {  	p1 =	seq.s32 s10, $0x1;
	s10 =	sld [smem:$0x3FB4];
	_ =	sdelay $0x3  }
0x37: {  	[smem:$0x3FB4] =	sst s10  }
0x38: {  	s10 =	sld [smem:$0x3FB5]  }
0x39: {  	_ = 	snop;
	(pc) =	sbr.ind lr, $3  }
0x3a: {  	_ = 	snop  }
0x3b: {  	_ = 	snop  }
0x3c: {  	p2 =	seq.s32 s10, $0x1;
	s10 =	sld [smem:$0x3FB4]  }
0x3d: {  	_ =	shalt  }
0x3e: {  	_ =	shalt  }
0x3f: {  	_ =	shalt  }
0x40: {  	_ =	shalt  }
0x41: {  	_ =	shalt  }
0x42: {  	_ =	shalt  }
0x43: {  	_ =	shalt  }
0x44: {  	_ =	shalt  }
0x45: {  	_ =	shalt  }
0x46: {  	_ =	shalt  }
0x47: {  	_ =	shalt  }
0x48: {  	_ =	shalt  }
0x49: {  	_ =	shalt  }
0x4a: {  	_ =	shalt  }
0x4b: {  	_ =	shalt  }
0x4c: {  	_ =	shalt  }
0x4d: {  	_ =	shalt  }
0x4e: {  	_ =	shalt  }
0x4f: {  	_ =	shalt  }
0x50: {  	_ =	shalt  }
0x51: {  	_ =	shalt  }
0x52: {  	_ =	shalt  }
0x53: {  	_ =	shalt  }
0x54: {  	_ =	shalt  }
0x55: {  	_ =	shalt  }
0x56: {  	_ =	shalt  }
0x57: {  	_ =	shalt  }
0x58: {  	_ =	shalt  }
0x59: {  	_ =	shalt  }
0x5a: {  	_ =	shalt  }
0x5b: {  	_ =	shalt  }
0x5c: {  	_ =	shalt  }
0x5d: {  	_ =	shalt  }
0x5e: {  	_ =	shalt  }
0x5f: {  	_ =	shalt  }
0x60: {  	_ =	shalt  }
0x61: {  	_ =	shalt  }
0x62: {  	_ =	shalt  }
0x63: {  	_ =	shalt  }
0x64: {  	_ =	shalt  }
0x65: {  	_ =	shalt  }
0x66: {  	_ =	shalt  }
0x67: {  	_ =	shalt  }
0x68: {  	_ =	shalt  }
0x69: {  	_ =	shalt  }
0x6a: {  	_ =	shalt  }
0x6b: {  	_ =	shalt  }
0x6c: {  	_ =	shalt  }
0x6d: {  	_ =	shalt  }
0x6e: {  	_ =	shalt  }
0x6f: {  	_ =	shalt  }
0x70: {  	_ =	shalt  }
0x71: {  	_ =	shalt  }
0x72: {  	_ =	shalt  }
0x73: {  	_ =	shalt  }
0x74: {  	_ =	shalt  }
0x75: {  	_ =	shalt  }
0x76: {  	_ =	shalt  }
0x77: {  	_ =	shalt  }
0x78: {  	_ =	shalt  }
0x79: {  	_ =	shalt  }
0x7a: {  	_ =	shalt  }
0x7b: {  	_ =	shalt  }
0x7c: {  	_ =	shalt  }
0x7d: {  	_ =	shalt  }
0x7e: {  	_ =	shalt  }
0x7f: {  	_ =	shalt  }
0x80: {  	_ =	shalt  }
0x81: {  	_ =	shalt  }
0x82: {  	_ =	shalt  }
0x83: {  	_ =	shalt  }
0x84: {  	_ =	shalt  }
0x85: {  	_ =	shalt  }
0x86: {  	_ =	shalt  }
0x87: {  	_ =	shalt  }
.Lfunc_end0:
.L_simem_size_0:
called_computation_lowered:
.L_overlay_start_0:
0x88: {  	s2 =	sld [smem:$0x3FD9]  }
0x89: {  	s3 =	sld [smem:$0x3FFE];
	_ =	sdelay $0x1  }
0x8a: {  	s1 =	srdreg.scid  }
0x8b: {  	s0 =	sand.u32 $0x1, s1  }
0x8c: {  	s16 =	sshll.u32 s0, $0xA;
	s2 =	sadd.s32 s3, s2  }
0x8d: {  	s2 =	sadd.s32 s2, s16  }
0x8e: {  	[smem:$0x3FC0] =	sst s2  }
0x8f: {  	_ = 	snop  }
0x90: {  	(tm) =	ssettm $0x1  }
0x91: {  	s17 =	sld [smem:$0x3FFB];
	_ =	sdelay $0x3  }
0x92: {  	_ =	strace s17  }
0x93: {  	s2 =	sld [smem:$0x3FFC];
	_ =	sdelay $0x3  }
0x94: {  	_ =	strace s2  }
0x95: {  	s2 =	sld [smem:$0x3FFD];
	_ =	sdelay $0x3  }
0x96: {  	_ =	strace s2  }
0x97: {  	_ =	strace $0x8FFFFFFF  }
0x98: {  	s18 =	sld [smem:$0x3FDB];
	_ =	sdelay $0x1  }
0x99: {  	s19 =	simm.s32 $_scs_section_size  }
0x9a: {  	s4 =	simm.s32 $_size__tile_overlayer_lowered;
	s5 =	simm.s32 $_tile_overlayer_lowered  }
0x9b: {  	s22 =	simm.s32 $0x1BFF;
	s21 =	sshll.u32 s5, $0x1;
	s2 =	sadd.s32 s19, s18  }
0x9c: {  	s6 =	simm.s32 $0x0;
	s20 =	sshll.u32 s4, $0x1;
	s4 =	sadd.s32 s21, s2  }
0x9d: {  	[timem:s6], [sflag:s22] =	dma.local [hbm:s4], s20  }
0x9e: {  	_ =	swait.ge [sflag:s22], s20  }
0x9f: {  	s3 =	ssub.s32 $0x0, s20;
	[sflag:s22] =	ssyncset.done $0x0  }
0xa0: {  	[sflag:s22] =	ssyncadd.s32 s3;
	_ =	sdelay $0x1  }
0xa1: {  	s23 =	simm.s32 $0x1B8B  }
0xa2: {  	_ =	swait.ge [sflag:s23], $0x1  }
0xa3: {  	[sflag:s23] =	ssyncset.done $0x0  }
0xa4: {  	s25 =	simm.s32 $0x1B8E;
	s24 =	sld [smem:$0x3FFE];
	[sflag:s23] =	ssyncadd.s32 $0xFFFFFFFF  }
0xa5: {  	s26 =	simm.s32 $execute0_lowered;
	[smem:$0x3FD2] =	sst s25  }
0xa6: {  	s4 =	sshll.u32 s26, $0x1;
	_ =	strace $0x80000046;
	[dreg:$0x1] =	wrdreg $0xFFFFFFFF  }
0xa7: {  	s28 =	simm.s32 $_size_execute0_lowered;
	s2 =	sadd.s32 s2, s4;
	[dreg:$0x0] =	wrdreg $0x0  }
0xa8: {  	s4 =	sshll.u32 s28, $0x1;
	[dreg:$0x2] =	wrdreg s2  }
0xa9: {  	[dreg:$0x3] =	wrdreg s4  }
0xaa: {  	[dreg:$0x4] =	wrdreg $0xC0  }
0xab: {  	_ =	task [dreg:s6], $0x5FFFF  }
0xac: {  	[dreg:$0x1] =	wrdreg $0xFFFFFFFF  }
0xad: {  	[dreg:$0x0] =	wrdreg $0x60  }
0xae: {  	[dreg:$0x2] =	wrdreg s24  }
0xaf: {  	[dreg:$0x3] =	wrdreg $0x104A00  }
0xb0: {  	[dreg:$0x4] =	wrdreg $0x1A0E00  }
0xb1: {  	[dreg:$0x5] =	wrdreg $0x9  }
0xb2: {  	_ =	task.clear_ibuf [dreg:s6], $0x6FFFF;
	_ =	strace $0x90000046  }
0xb3: {  	s29 =	simm.s32 $0x9;
	_ =	strace $0x80000048  }
0xb4: {  	_ =	swait.ge [sflag:s29], $0x1  }
0xb5: {  	[sflag:s29] =	ssyncadd.s32 $0xFFFFFFFF  }
0xb6: {  	_ =	strace $0x90000048  }
0xb7: {  	_ =	sfence  }
0xb8: {  	s30 =	sld [smem:$0x0];
	_ =	sdelay $0x2  }
0xb9: {  	s31 =	sshll.u32 s1, $0xD;
	s1 =	sshrl.u32 s1, $0x2  }
0xba: {  	s3 =	sand.u32 $0x4000, s31;
	s1 =	sadd.s32 s1, s30  }
0xbb: {  	s0 =	sor.u32 s3, s0;
	s1 =	sshll.u32 s1, $0x11  }
0xbc: {  	s0 =	sor.u32 s1, s0  }
0xbd: {  	s0 =	sadd.s32 $0x8F2B, s0  }
0xbe: {  	[sflag:s0] =	ssyncadd.remote.s32 $0x1  }
0xbf: {  	_ =	sfence.sel $0xFFFF  }
0xc0: {  	[dreg:$0x0] =	wrdreg $0xFFFFFFFF;
	(pc) =	sbr.abs _section_cstart, $3  }
0xc1: {  	[dreg:$0x1] =	wrdreg $0xFFFFFFFF  }
0xc2: {  	_ =	task.clear_ibuf [dreg:s6], $0x2FFFF;
	_ =	strace $0x9FFFFFFF  }
0xc3: {  	(tm) =	ssettm $0x7FFFFFFF  }
tec
execute0_lowered:
.L_overlay_start_1:
0x0: {  	(tag) =	ssettag $0x1  }
0x1: {  	s0 =	srdreg.scid;
	s5 =	rddreg [dreg:$0x0]  }
0x2: {  	s15 =	stileid.u32;
	s2 =	rddreg [dreg:$0x1]  }
0x3: {  	s11 =	rddreg [dreg:$0x2];
	s3 =	simm.s32 $0x0;
	s17 =	simm.s32 $0x50  }
0x4: {  	s18 =	simm.s32 $0x4E20;
	s19 =	simm.s32 $0x6220;
	s21 =	simm.s32 $0x7620  }
0x5: {  	s23 =	simm.s32 $0x8A20;
	s28 =	simm.s32 $0xB220;
	s29 =	simm.s32 $0x2  }
0x6: {  	s16 =	simm.s32 $0x0;
	s0 =	sand.u32 $0x1, s0;
	s6 =	smul.u32 $0x9C40, s15  }
0x7: {  	s1 =	sshll.u32 s15, $0x1;
	[smem:$0x7FF] =	sst s3;
	s12 =	smul.u32 $0x280, s15  }
0x8: {  	s4 =	sadd.s32 $0x15200, s5;
	s26 =	smul.u32 $0xA000, s15;
	s30 =	sshll.u32 s15, $0x6  }
0x9: {  	s15 =	simm.s32 $0x3;
	s1 =	sor.u32 s0, s1;
	s7 =	smul.u32 $0x9C400, s0  }
0xa: {  	_ =	strace $0x80000047;
	s8 =	smul.u32 $0x2800, s0;
	s0 =	ssub.s32 $0x2, s0  }
0xb: {  	s1 =	smul.u32 $0x4E2, s1;
	s9 =	sshrl.u32 s6, $0x3;
	s25 =	sshrl.u32 s0, $0x1  }
0xc: {  	s14 =	sadd.s32 s6, s2;
	s31 =	sshrl.u32 s26, $0x2;
	s26 =	simm.s32 $0x1  }
0xd: {  	s7 =	sadd.s32 s6, s7;
	s9 =	sadd.s32 s9, s5;
	s8 =	sadd.s32 s12, s8  }
0xe: {  	s0 =	ssub.s32 s0, s25;
	s6 =	sor.u32 $0x1C03, s30;
	s14 =	sshrl.u32 s14, $0x3  }
0xf: {  	s25 =	simm.s32 $0x9E20;
	s7 =	sshrl.u32 s7, $0x3;
	s24 =	sshrl.u32 s8, $0x3  }
0x10: {  	s1 =	sadd.s32 s1, s5;
	s10 =	sadd.s32 s7, s5;
	s13 =	sadd.s32 s24, s5  }
0x11: {  	s5 =	sadd.s32 $0x28C00, s9;
	s7 =	sadd.s32 $0x1600, s1;
	s8 =	sadd.s32 $0xB400, s1  }
0x12: {  	s9 =	sadd.s32 s31, s11;
	s11 =	sadd.s32 s12, s11;
	s10 =	sadd.s32 $0x3D000, s10  }
0x13: {  	v0 =	vimm.f32 $0.0e+00;
	v1 =	vimm.f32 $1.000000000e+00;
	s12 =	sadd.s32 $0x3C600, s13;
	s13 =	smax.u32 s0, $0x1;
	s0 =	simm.s32 $0x10220  }
.LBB2_1:
0x14: {  	[spmem:s14], [sflag:s6] =	dma.local [hbm:s5], $0x1388  }
0x15: {  	_ =	swait.ge [sflag:s15], $0x1388  }
0x16: {  	[sflag:s15] =	ssyncset.done $0x0  }
0x17: {  	[sflag:s15] =	ssyncadd.s32 $0xFFFFEC78  }
0x18: {  	[tilespmem:s3], [sflag:$0x3] =	stream.linear.gather [hbm4b:s7+s3], $0x2710, $0x38;
	[tilespmem:$0x1C8E0] =	vst v63  }
0x19: {  	_ =	swait.ge [sflag:s15], $0x2710  }
0x1a: {  	[sflag:s15] =	ssyncset.done $0x0  }
0x1b: {  	s1 =	simm.s32 $0x2710;
	[sflag:s15] =	ssyncadd.s32 $0xFFFFD8F0  }
0x1c: {  	[tilespmem:s1], [sflag:$0x3] =	stream.linear.gather [hbm4b:s8+s3], $0x2710, $0x38;
	[tilespmem:$0x1C8E0] =	vst v63  }
0x1d: {  	_ =	swait.ge [sflag:s15], $0x2710  }
0x1e: {  	[sflag:s15] =	ssyncset.done $0x0  }
0x1f: {  	s20 =	simm.s32 $0x40;
	s22 =	simm.s32 $0x0;
	[sflag:s15] =	ssyncadd.s32 $0xFFFFD8F0  }
.LBB2_2:
0x20: {  	p0 =	sne.s32 s20, $0x9FC0;
	[tilespmem:s22+$0xB220] =	vst v0;
	s22 =	smov.u32 s20;
	s20 =	sadd.s32 $0x40, s20  }
.Ltmp0:
0x21: {  	(pc) =	sbr.rel @p0 .LBB2_2-.Ltmp0, $2  }
0x22: {  	_ =	sdelay $0x2  }
0x23: {  	s22 =	sshra.s32 s22, $0x2  }
0x24: {  	[tilespmem:s22+$0xB220] =	vst v0;
	s20 =	simm.s32 $0x0  }
0x25: {  	[tilespmem:s18], [sflag:$0x1] =	stream.indirect.gather [hbm4b:s4+s17], $0x40, s20, s17, $0xb8;
	[tilespmem:$0x1C8E0] =	vst v63  }
0x26: {  	_ = 	snop  }
0x27: {  	[tilespmem:s19], [sflag:$0x1] =	stream.indirect.gather [hbm4b:s4+s17], $0x40, s17, s17, $0xb8;
	[tilespmem:$0x1C8E0] =	vst v63  }
0x28: {  	s1 =	simm.s32 $0xA0  }
0x29: {  	[tilespmem:s21], [sflag:$0x1] =	stream.indirect.gather [hbm4b:s4+s17], $0x40, s1, s17, $0xb8;
	[tilespmem:$0x1C8E0] =	vst v63  }
0x2a: {  	s30 =	simm.s32 $0xF0  }
0x2b: {  	[tilespmem:s23], [sflag:$0x1] =	stream.indirect.gather [hbm4b:s4+s17], $0x40, s30, s17, $0xb8;
	[tilespmem:$0x1C8E0] =	vst v63  }
0x2c: {  	s31 =	simm.s32 $0x140  }
0x2d: {  	[tilespmem:s25], [sflag:$0x1] =	stream.indirect.gather [hbm4b:s4+s17], $0x40, s31, s17, $0xb8;
	[tilespmem:$0x1C8E0] =	vst v63  }
0x2e: {  	[bflag:$0x0] =	sbarrier.arrive $0xFFFF  }
.LBB2_4:
0x2f: {  	_ =	swait.ge [sflag:s26], $0x1400  }
0x30: {  	s22 =	sshra.s32 s20, $0x2;
	[sflag:s26] =	ssyncset.done $0x0  }
0x31: {  	s24 =	sadd.s32 $0x2710, s22;
	[sflag:s26] =	ssyncadd.s32 $0xFFFFEC00  }
0x32: {  	[spmem:s2] =	stream.indirect.scatter.add.f32 [tilespmem:s18], [sflag:$0x2], $0x40, s24, s17, $0xb8;
	[tilespmem:$0x1C8E0] =	vst v63  }
0x33: {  	v2 =	vld [tilespmem:s22+$0x2710];
	_ =	sdelay $0x7  }
0x34: {  	[tilespmem:v2+s28+$0x0] =	vst.idx.add.f32.msk $0xffff, v1  }
0x35: {  	v2 =	vld [tilespmem:s22+$0x2720];
	_ =	sdelay $0x7  }
0x36: {  	[tilespmem:v2+s28+$0x0] =	vst.idx.add.f32.msk $0xffff, v1  }
0x37: {  	v2 =	vld [tilespmem:s22+$0x2730];
	_ =	sdelay $0x7  }
0x38: {  	[tilespmem:v2+s28+$0x0] =	vst.idx.add.f32.msk $0xffff, v1  }
0x39: {  	v2 =	vld [tilespmem:s22+$0x2740];
	_ =	sdelay $0x7  }
0x3a: {  	[tilespmem:v2+s28+$0x0] =	vst.idx.add.f32.msk $0xffff, v1  }
0x3b: {  	v2 =	vld [tilespmem:s22+$0x2750];
	_ =	sdelay $0x7  }
0x3c: {  	[tilespmem:v2+s28+$0x0] =	vst.idx.add.f32.msk $0xffff, v1  }
0x3d: {  	p0 =	seq.s32 s20, $0x9600;
	_ =	swait.ge [sflag:s29], $0x1400  }
0x3e: {  	s30 =	simm.s32 @!p0 $0x50;
	s24 =	sshra.s32 @!p0 s20, $0x2;
	[sflag:s29] =	ssyncset.done $0x0  }
0x3f: {  	s1 =	simm.s32 @!p0 $0x4E20;
	s31 =	sadd.s32 @!p0 $0x190, s24;
	[sflag:s29] =	ssyncadd.s32 $0xFFFFEC00  }
0x40: {  	[tilespmem:s1], [sflag:$0x1] =	stream.indirect.gather @!p0 [hbm4b:s4+s30], $0x40, s31, s30, $0xb8;
	[tilespmem:$0x1C8E0] =	vst v63  }
0x41: {  	_ =	swait.ge [sflag:s26], $0x1400  }
0x42: {  	[sflag:s26] =	ssyncset.done $0x0  }
0x43: {  	s31 =	sadd.s32 $0x2760, s22;
	[sflag:s26] =	ssyncadd.s32 $0xFFFFEC00  }
0x44: {  	[spmem:s2] =	stream.indirect.scatter.add.f32 [tilespmem:s19], [sflag:$0x2], $0x40, s31, s17, $0xb8;
	[tilespmem:$0x1C8E0] =	vst v63  }
0x45: {  	v2 =	vld [tilespmem:s22+$0x2760];
	_ =	sdelay $0x7  }
0x46: {  	[tilespmem:v2+s28+$0x0] =	vst.idx.add.f32.msk $0xffff, v1  }
0x47: {  	v2 =	vld [tilespmem:s22+$0x2770];
	_ =	sdelay $0x7  }
0x48: {  	[tilespmem:v2+s28+$0x0] =	vst.idx.add.f32.msk $0xffff, v1  }
0x49: {  	v2 =	vld [tilespmem:s22+$0x2780];
	_ =	sdelay $0x7  }
0x4a: {  	[tilespmem:v2+s28+$0x0] =	vst.idx.add.f32.msk $0xffff, v1  }
0x4b: {  	v2 =	vld [tilespmem:s22+$0x2790];
	_ =	sdelay $0x7  }
0x4c: {  	[tilespmem:v2+s28+$0x0] =	vst.idx.add.f32.msk $0xffff, v1  }
0x4d: {  	v2 =	vld [tilespmem:s22+$0x27A0];
	_ =	sdelay $0x7  }
0x4e: {  	[tilespmem:v2+s28+$0x0] =	vst.idx.add.f32.msk $0xffff, v1  }
0x4f: {  	_ =	swait.ge [sflag:s29], $0x1400  }
0x50: {  	[sflag:s29] =	ssyncset.done $0x0  }
0x51: {  	s1 =	sadd.s32 @!p0 $0x1E0, s24;
	s31 =	simm.s32 @!p0 $0x6220;
	[sflag:s29] =	ssyncadd.s32 $0xFFFFEC00  }
0x52: {  	[tilespmem:s31], [sflag:$0x1] =	stream.indirect.gather @!p0 [hbm4b:s4+s30], $0x40, s1, s30, $0xb8;
	[tilespmem:$0x1C8E0] =	vst v63  }
0x53: {  	_ =	swait.ge [sflag:s26], $0x1400  }
0x54: {  	[sflag:s26] =	ssyncset.done $0x0  }
0x55: {  	s31 =	sadd.s32 $0x27B0, s22;
	[sflag:s26] =	ssyncadd.s32 $0xFFFFEC00  }
0x56: {  	[spmem:s2] =	stream.indirect.scatter.add.f32 [tilespmem:s21], [sflag:$0x2], $0x40, s31, s17, $0xb8;
	[tilespmem:$0x1C8E0] =	vst v63  }
0x57: {  	v2 =	vld [tilespmem:s22+$0x27B0];
	_ =	sdelay $0x7  }
0x58: {  	[tilespmem:v2+s28+$0x0] =	vst.idx.add.f32.msk $0xffff, v1  }
0x59: {  	v2 =	vld [tilespmem:s22+$0x27C0];
	_ =	sdelay $0x7  }
0x5a: {  	[tilespmem:v2+s28+$0x0] =	vst.idx.add.f32.msk $0xffff, v1  }
0x5b: {  	v2 =	vld [tilespmem:s22+$0x27D0];
	_ =	sdelay $0x7  }
0x5c: {  	[tilespmem:v2+s28+$0x0] =	vst.idx.add.f32.msk $0xffff, v1  }
0x5d: {  	v2 =	vld [tilespmem:s22+$0x27E0];
	_ =	sdelay $0x7  }
0x5e: {  	[tilespmem:v2+s28+$0x0] =	vst.idx.add.f32.msk $0xffff, v1  }
0x5f: {  	v2 =	vld [tilespmem:s22+$0x27F0];
	_ =	sdelay $0x7  }
0x60: {  	[tilespmem:v2+s28+$0x0] =	vst.idx.add.f32.msk $0xffff, v1  }
0x61: {  	_ =	swait.ge [sflag:s29], $0x1400  }
0x62: {  	[sflag:s29] =	ssyncset.done $0x0  }
0x63: {  	s1 =	sadd.s32 @!p0 $0x230, s24;
	s31 =	simm.s32 @!p0 $0x7620;
	[sflag:s29] =	ssyncadd.s32 $0xFFFFEC00  }
0x64: {  	[tilespmem:s31], [sflag:$0x1] =	stream.indirect.gather @!p0 [hbm4b:s4+s30], $0x40, s1, s30, $0xb8;
	[tilespmem:$0x1C8E0] =	vst v63  }
0x65: {  	_ =	swait.ge [sflag:s26], $0x1400  }
0x66: {  	[sflag:s26] =	ssyncset.done $0x0  }
0x67: {  	s31 =	sadd.s32 $0x2800, s22;
	[sflag:s26] =	ssyncadd.s32 $0xFFFFEC00  }
0x68: {  	[spmem:s2] =	stream.indirect.scatter.add.f32 [tilespmem:s23], [sflag:$0x2], $0x40, s31, s17, $0xb8;
	[tilespmem:$0x1C8E0] =	vst v63  }
0x69: {  	v2 =	vld [tilespmem:s22+$0x2800];
	_ =	sdelay $0x7  }
0x6a: {  	[tilespmem:v2+s28+$0x0] =	vst.idx.add.f32.msk $0xffff, v1  }
0x6b: {  	v2 =	vld [tilespmem:s22+$0x2810];
	_ =	sdelay $0x7  }
0x6c: {  	[tilespmem:v2+s28+$0x0] =	vst.idx.add.f32.msk $0xffff, v1  }
0x6d: {  	v2 =	vld [tilespmem:s22+$0x2820];
	_ =	sdelay $0x7  }
0x6e: {  	[tilespmem:v2+s28+$0x0] =	vst.idx.add.f32.msk $0xffff, v1  }
0x6f: {  	v2 =	vld [tilespmem:s22+$0x2830];
	_ =	sdelay $0x7  }
0x70: {  	[tilespmem:v2+s28+$0x0] =	vst.idx.add.f32.msk $0xffff, v1  }
0x71: {  	v2 =	vld [tilespmem:s22+$0x2840];
	_ =	sdelay $0x7  }
0x72: {  	[tilespmem:v2+s28+$0x0] =	vst.idx.add.f32.msk $0xffff, v1  }
0x73: {  	_ =	swait.ge [sflag:s29], $0x1400  }
0x74: {  	[sflag:s29] =	ssyncset.done $0x0  }
0x75: {  	s1 =	sadd.s32 @!p0 $0x280, s24;
	s24 =	simm.s32 @!p0 $0x8A20;
	[sflag:s29] =	ssyncadd.s32 $0xFFFFEC00  }
0x76: {  	[tilespmem:s24], [sflag:$0x1] =	stream.indirect.gather @!p0 [hbm4b:s4+s30], $0x40, s1, s30, $0xb8;
	[tilespmem:$0x1C8E0] =	vst v63  }
0x77: {  	_ =	swait.ge [sflag:s26], $0x1400  }
0x78: {  	[sflag:s26] =	ssyncset.done $0x0  }
0x79: {  	s31 =	sadd.s32 $0x2850, s22;
	[sflag:s26] =	ssyncadd.s32 $0xFFFFEC00  }
0x7a: {  	[spmem:s2] =	stream.indirect.scatter.add.f32 [tilespmem:s25], [sflag:$0x2], $0x40, s31, s17, $0xb8;
	[tilespmem:$0x1C8E0] =	vst v63  }
0x7b: {  	v2 =	vld [tilespmem:s22+$0x2850];
	_ =	sdelay $0x7  }
0x7c: {  	[tilespmem:v2+s28+$0x0] =	vst.idx.add.f32.msk $0xffff, v1  }
0x7d: {  	v2 =	vld [tilespmem:s22+$0x2860];
	_ =	sdelay $0x7  }
0x7e: {  	[tilespmem:v2+s28+$0x0] =	vst.idx.add.f32.msk $0xffff, v1  }
0x7f: {  	v2 =	vld [tilespmem:s22+$0x2870];
	_ =	sdelay $0x7  }
0x80: {  	[tilespmem:v2+s28+$0x0] =	vst.idx.add.f32.msk $0xffff, v1  }
0x81: {  	v2 =	vld [tilespmem:s22+$0x2880];
	_ =	sdelay $0x7  }
0x82: {  	[tilespmem:v2+s28+$0x0] =	vst.idx.add.f32.msk $0xffff, v1  }
0x83: {  	v2 =	vld [tilespmem:s22+$0x2890];
	_ =	sdelay $0x6  }
.Ltmp1:
0x84: {  	_ = 	snop;
	(pc) =	sbr.rel @p0 .LBB2_6-.Ltmp1, $4  }
0x85: {  	[tilespmem:v2+s28+$0x0] =	vst.idx.add.f32.msk $0xffff, v1  }
0x86: {  	_ =	swait.ge [sflag:s29], $0x1400  }
0x87: {  	[sflag:s29] =	ssyncset.done $0x0  }
0x88: {  	[sflag:s29] =	ssyncadd.s32 $0xFFFFEC00  }
.Ltmp2:
0x89: {  	(pc) =	sbr.rel .LBB2_4-.Ltmp2, $3  }
0x8a: {  	_ =	sdelay $0x1  }
0x8b: {  	s1 =	sadd.s32 $0x2D0, s22;
	s20 =	sadd.s32 $0x640, s20  }
0x8c: {  	[tilespmem:s25], [sflag:$0x1] =	stream.indirect.gather [hbm4b:s4+s17], $0x40, s1, s17, $0xb8;
	[tilespmem:$0x1C8E0] =	vst v63  }
.LBB2_6:
0x8d: {  	[spmem:s9] =	stream.linear.scatter [tilespmem:s28], [sflag:$0x3], $0x2800, $0x38;
	[tilespmem:$0x1C8E0] =	vst v63  }
0x8e: {  	_ =	swait.ge [sflag:s15], $0x2800  }
0x8f: {  	[sflag:s15] =	ssyncset.done $0x0  }
0x90: {  	[sflag:s15] =	ssyncadd.s32 $0xFFFFD800  }
0x91: {  	[bflag:$0x0] =	sbarrier.arrive $0xFFFF  }
0x92: {  	[hbm:s10], [sflag:s6] =	dma.local [spmem:s14], $0x1388  }
0x93: {  	_ =	swait.ge [sflag:s15], $0x1388  }
0x94: {  	s1 =	simm.s32 $0x280;
	[sflag:s15] =	ssyncset.done $0x0  }
0x95: {  	s20 =	simm.s32 $0x2800;
	s22 =	simm.s32 $0xDA20;
	[sflag:s15] =	ssyncadd.s32 $0xFFFFEC78  }
0x96: {  	[tilespmem:s22], [sflag:$0x3] =	stream.strided.gather [spmem:s11], $0x2800, s20, s1, $0x38;
	[tilespmem:$0x1C8E0] =	vst v63  }
0x97: {  	_ =	swait.ge [sflag:s15], $0x2800  }
0x98: {  	[sflag:s15] =	ssyncset.done $0x0  }
0x99: {  	s22 =	simm.s32 $0x0;
	[sflag:s15] =	ssyncadd.s32 $0xFFFFD800  }
0x9a: {  	v2 =	vld [tilespmem:s22+$0xDA20]  }
0x9b: {  	v3 =	vld [tilespmem:s22+$0xDCA0];
	_ =	sdelay $0x1  }
0x9c: {  	v4 =	vld [tilespmem:s22+$0xDF20];
	_ =	sdelay $0x1  }
0x9d: {  	v5 =	vld [tilespmem:s22+$0xE1A0]  }
0x9e: {  	v2 =	vadd.f32 v3, v2  }
0x9f: {  	v3 =	vld [tilespmem:s22+$0xE420]  }
0xa0: {  	v2 =	vadd.f32 v4, v2  }
0xa1: {  	v4 =	vld [tilespmem:s22+$0xE6A0]  }
0xa2: {  	v2 =	vadd.f32 v5, v2  }
0xa3: {  	v5 =	vld [tilespmem:s22+$0xE920]  }
0xa4: {  	v2 =	vadd.f32 v3, v2  }
0xa5: {  	v3 =	vld [tilespmem:s22+$0xEBA0]  }
0xa6: {  	s20 =	simm.s32 $0x10;
	v6 =	vld [tilespmem:s22+$0xEE20];
	v2 =	vadd.f32 v4, v2  }
0xa7: {  	v7 =	vld [tilespmem:s20+$0xDA20]  }
0xa8: {  	v4 =	vld [tilespmem:s22+$0xF0A0];
	v2 =	vadd.f32 v5, v2  }
0xa9: {  	v5 =	vld [tilespmem:s20+$0xDCA0]  }
0xaa: {  	v8 =	vld [tilespmem:s20+$0xDF20];
	v2 =	vadd.f32 v3, v2  }
0xab: {  	v3 =	vld [tilespmem:s22+$0xF320]  }
0xac: {  	v9 =	vld [tilespmem:s20+$0xE1A0];
	v2 =	vadd.f32 v6, v2  }
0xad: {  	v6 =	vld [tilespmem:s22+$0xF5A0]  }
0xae: {  	v5 =	vadd.f32 v5, v7;
	v7 =	vld [tilespmem:s20+$0xE420];
	v2 =	vadd.f32 v4, v2  }
0xaf: {  	v4 =	vld [tilespmem:s22+$0xF820]  }
0xb0: {  	v5 =	vadd.f32 v8, v5;
	v8 =	vld [tilespmem:s20+$0xE6A0];
	v2 =	vadd.f32 v3, v2  }
0xb1: {  	v3 =	vld [tilespmem:s22+$0xFAA0]  }
0xb2: {  	v10 =	vld [tilespmem:s20+$0xE920];
	v5 =	vadd.f32 v9, v5;
	v2 =	vadd.f32 v6, v2  }
0xb3: {  	v9 =	vld [tilespmem:s22+$0xFD20]  }
0xb4: {  	v6 =	vadd.f32 v7, v5;
	v5 =	vld [tilespmem:s20+$0xEBA0];
	v7 =	vadd.f32 v4, v2  }
0xb5: {  	v4 =	vld [tilespmem:s22+$0xFFA0]  }
0xb6: {  	v2 =	vld [tilespmem:s20+$0xF0A0];
	v8 =	vadd.f32 v8, v6;
	v11 =	vadd.f32 v3, v7  }
0xb7: {  	s24 =	simm.s32 $0x20;
	v6 =	vld [tilespmem:s20+$0xEE20]  }
0xb8: {  	s30 =	simm.s32 $0xC0;
	v3 =	vld [tilespmem:s24+$0xDA20];
	v7 =	vadd.f32 v10, v8;
	v8 =	vadd.f32 v9, v11  }
.LBB2_7:
0xb9: {  	p0 =	sne.s32 s30, $0x9C0;
	v9 =	vld [tilespmem:s24+$0xDCA0]  }
0xba: {  	v5 =	vadd.f32 v5, v7;
	v7 =	vld [tilespmem:s20+$0xF320];
	v4 =	vadd.f32 v4, v8  }
0xbb: {  	v8 =	vld [tilespmem:s24+$0xDF20]  }
0xbc: {  	v5 =	vadd.f32 v6, v5;
	v6 =	vld [tilespmem:s20+$0xF5A0];
	[tilespmem:s22+$0x10220] =	vst v4;
	s22 =	smov.u32 s20;
	s20 =	smov.u32 s24  }
0xbd: {  	v4 =	vld [tilespmem:s20+$0xE1A0]  }
0xbe: {  	v3 =	vadd.f32 v9, v3;
	v2 =	vadd.f32 v2, v5;
	v5 =	vld [tilespmem:s22+$0xF820]  }
0xbf: {  	v9 =	vld [tilespmem:s20+$0xE420]  }
0xc0: {  	v3 =	vadd.f32 v8, v3;
	v2 =	vadd.f32 v7, v2;
	v7 =	vld [tilespmem:s22+$0xFAA0]  }
0xc1: {  	v8 =	vld [tilespmem:s20+$0xE6A0]  }
0xc2: {  	v3 =	vadd.f32 v4, v3;
	v2 =	vadd.f32 v6, v2;
	v10 =	vld [tilespmem:s22+$0xFD20]  }
0xc3: {  	v11 =	vld [tilespmem:s20+$0xE920]  }
.Ltmp3:
0xc4: {  	v3 =	vadd.f32 v9, v3;
	v6 =	vadd.f32 v5, v2;
	v4 =	vld [tilespmem:s22+$0xFFA0];
	(pc) =	sbr.rel @p0 .LBB2_7-.Ltmp3, $4  }
0xc5: {  	v5 =	vld [tilespmem:s20+$0xEBA0]  }
0xc6: {  	v8 =	vadd.f32 v8, v3;
	v2 =	vld [tilespmem:s20+$0xF0A0];
	v9 =	vadd.f32 v7, v6  }
0xc7: {  	s24 =	sshra.s32 s30, $0x2;
	v6 =	vld [tilespmem:s20+$0xEE20]  }
0xc8: {  	s30 =	sadd.s32 $0x40, s30;
	v3 =	vld [tilespmem:s24+$0xDA20];
	v7 =	vadd.f32 v11, v8;
	v8 =	vadd.f32 v10, v9  }
0xc9: {  	v9 =	vld [tilespmem:s24+$0xDCA0]  }
0xca: {  	v10 =	vld [tilespmem:s20+$0xF320];
	v4 =	vadd.f32 v4, v8  }
0xcb: {  	v49 =	vld [tilespmem:s24+$0xDF20]  }
0xcc: {  	v11 =	vld [tilespmem:s20+$0xF5A0];
	v5 =	vadd.f32 v5, v7;
	[tilespmem:s22+$0x10220] =	vst v4  }
0xcd: {  	v4 =	vld [tilespmem:s24+$0xE1A0]  }
0xce: {  	v5 =	vadd.f32 v6, v5;
	v3 =	vadd.f32 v9, v3  }
0xcf: {  	v50 =	vld [tilespmem:s24+$0xE420]  }
0xd0: {  	v51 =	vld [tilespmem:s20+$0xF820];
	v2 =	vadd.f32 v2, v5;
	v3 =	vadd.f32 v49, v3  }
0xd1: {  	v52 =	vld [tilespmem:s24+$0xE6A0]  }
0xd2: {  	v53 =	vld [tilespmem:s20+$0xFAA0];
	v2 =	vadd.f32 v10, v2;
	v3 =	vadd.f32 v4, v3  }
0xd3: {  	v54 =	vld [tilespmem:s24+$0xE920]  }
0xd4: {  	v55 =	vld [tilespmem:s20+$0xFD20];
	v2 =	vadd.f32 v11, v2;
	v3 =	vadd.f32 v50, v3  }
0xd5: {  	v56 =	vld [tilespmem:s24+$0xEBA0]  }
0xd6: {  	v57 =	vld [tilespmem:s20+$0xFFA0];
	v2 =	vadd.f32 v51, v2;
	v3 =	vadd.f32 v52, v3  }
0xd7: {  	v58 =	vld [tilespmem:s24+$0xEE20]  }
0xd8: {  	v2 =	vadd.f32 v53, v2;
	v3 =	vadd.f32 v54, v3  }
0xd9: {  	v59 =	vld [tilespmem:s24+$0xF0A0]  }
0xda: {  	v2 =	vadd.f32 v55, v2;
	v3 =	vadd.f32 v56, v3  }
0xdb: {  	v60 =	vld [tilespmem:s24+$0xF320]  }
0xdc: {  	v2 =	vadd.f32 v57, v2;
	v3 =	vadd.f32 v58, v3  }
0xdd: {  	v61 =	vld [tilespmem:s24+$0xF5A0]  }
0xde: {  	[tilespmem:s20+$0x10220] =	vst v2;
	v2 =	vadd.f32 v59, v3  }
0xdf: {  	v3 =	vld [tilespmem:s24+$0xF820]  }
0xe0: {  	v2 =	vadd.f32 v60, v2  }
0xe1: {  	v62 =	vld [tilespmem:s24+$0xFAA0]  }
0xe2: {  	v2 =	vadd.f32 v61, v2  }
0xe3: {  	v63 =	vld [tilespmem:s24+$0xFD20]  }
0xe4: {  	v2 =	vadd.f32 v3, v2  }
0xe5: {  	v3 =	vld [tilespmem:s24+$0xFFA0]  }
0xe6: {  	v2 =	vadd.f32 v62, v2;
	_ =	sdelay $0x1  }
0xe7: {  	v2 =	vadd.f32 v63, v2;
	_ =	sdelay $0x1  }
0xe8: {  	s16 =	sadd.s32 $0x1, s16;
	v2 =	vadd.f32 v3, v2  }
0xe9: {  	p0 =	sne.s32 s16, s13  }
.Ltmp4:
0xea: {  	[tilespmem:s24+$0x10220] =	vst v2;
	(pc) =	sbr.rel @p0 .LBB2_1-.Ltmp4, $4  }
0xeb: {  	[hbm4b:s12+s3] =	stream.linear.scatter [tilespmem:s0], [sflag:$0x3], $0x280, $0x38;
	[tilespmem:$0x1C8E0] =	vst v63  }
0xec: {  	_ =	swait.ge [sflag:s15], $0x280  }
0xed: {  	[sflag:s15] =	ssyncset.done $0x0  }
0xee: {  	[sflag:s15] =	ssyncadd.s32 $0xFFFFFD80  }
0xef: {  	_ =	sfence.sel $0x180000  }
0xf0: {  	[bflag:$0x0] =	sbarrier.arrive $0xFFFF  }
0xf1: {  	_ =	strace $0x90000047  }
0xf2: {  	s0 =	stileid.u32;
	[bflag:$0x2] =	sbarrier.arrive $0xFFFF  }
0xf3: {  	p0 =	sne.s32 s0, $0x0;
	s0 =	rddreg [dreg:$0x3]  }
0xf4: {  	s0 =	sadd.s32 @!p0 $0x100000, s0  }
0xf5: {  	[sflag:s0] =	ssyncadd.tile.s32 @!p0 $0x1;
	_ =	shalt  }
.Lfunc_end2:
_tile_overlayer_lowered:
.L_overlay_start_2:
0xf6: {  	(tag) =	ssettag $0x2  }
0xf7: {  	s0 =	rddreg [dreg:$0x0];
	s2 =	stileid.u32  }
0xf8: {  	s1 =	rddreg [dreg:$0x1];
	p0 =	sne.s32 s2, $0x0  }
0xf9: {  	s3 =	rddreg [dreg:$0x2];
	[bflag:$0x3] =	sbarrier.arrive $0xFFFF;
	s2 =	simm.s32 @!p0 $0x1C03  }
0xfa: {  	[timem:s3], [sflag:s2] =	dma.local @!p0 [hbm:s0], s1  }
0xfb: {  	s0 =	simm.s32 @!p0 $0x3  }
0xfc: {  	_ =	swait.ge @!p0 [sflag:s0], s1  }
0xfd: {  	s1 =	ssub.s32 @!p0 $0x0, s1;
	[sflag:s0] =	ssyncset.done @!p0 $0x0  }
0xfe: {  	[sflag:s0] =	ssyncadd.s32 @!p0 s1  }
0xff: {  	[bflag:$0x3] =	sbarrier.arrive $0xFFFF  }
0x100: {  	_ =	shalt  }

</sc_bundles>
